<compile_context>
chip_gen: v7x
topology: tpu7x:2x2x1
jax: 0.10.2.dev20260603
libtpu: 0.0.44.dev20260713+nightly
codegen_flags: <defaults>
</compile_context>

<pallas_src>
import jax
import jax.numpy as jnp
from jax.experimental import pallas as pl
from jax.experimental.pallas import tpu as pltpu
from jax.experimental.pallas import tpu_sc as plsc

_WINDOW = 128
_J = 4


def _gather_flat(weight, idx_2d):
    n_win, _ = idx_2d.shape
    n = n_win * _WINDOW
    d = weight.shape[1]
    mesh = plsc.VectorSubcoreMesh(core_axis_name="core", subcore_axis_name="subcore")

    @pl.kernel(
        out_type=jax.ShapeDtypeStruct((n, d), weight.dtype),
        mesh=mesh,
        scratch_types=[pltpu.SemaphoreType.DMA],
        compiler_params=pltpu.CompilerParams(use_tc_tiling_on_sc=False),
    )
    def kern(x_hbm, i_hbm, o_hbm, sem):
        def body(i_vmem, o_vmem):
            copies = [
                pltpu.async_copy(
                    x_hbm.at[i_vmem.at[j]],
                    o_vmem.at[pl.ds(j * _WINDOW, _WINDOW)],
                    sem,
                )
                for j in range(_J)
            ]
            for c in copies:
                c.wait()

        pltpu.emit_pipeline(
            body,
            grid=(n_win // _J,),
            in_specs=[pl.BlockSpec((_J, _WINDOW), index_map=lambda i: (i, 0))],
            out_specs=[pl.BlockSpec((_J * _WINDOW, d), index_map=lambda i: (i, 0))],
            core_axis_name=("core", "subcore"),
            dimension_semantics=(pltpu.PARALLEL,),
        )(i_hbm, o_hbm)

    return kern(weight, idx_2d)


def kernel(indices, weight):
    b, l = indices.shape
    idx_2d = indices.reshape(-1, _WINDOW).astype(jnp.int32)
    out = _gather_flat(weight, idx_2d)
    return out.reshape(b, l, weight.shape[1])

# --- scband reference (transcript-rebuilt; emitter-appended) ---
"""Pipeline reference for scband-word2-vec-29489245454778 (READ-ONLY COPY).

The authoritative reference and input builder live on the scoring server;
editing this copy changes nothing except your own understanding.
"""

import jax, jax.numpy as jnp
import numpy as np

NUM_EMBEDDINGS = 1000000
EMBEDDING_DIM = 64

def setup_inputs(seed: int = 0) -> dict:
    key = jax.random.key(seed)
    k1, k2 = jax.random.split(key)
    indices = jax.random.randint(k1, (16384, 50), 0, NUM_EMBEDDINGS, dtype=jnp.int64)
    # learned parameter: shared embedding table (self.weight, init normal_)
    weight = jax.random.normal(k2, (NUM_EMBEDDINGS, EMBEDDING_DIM), dtype=jnp.float32)
    return {"indices": indices, "weight": weight}

def reference(indices, weight):
    # Faithful translation of self.emb_layer(indices): embedding gather
    # (emb_layer.weight is tied to self.weight)
    out = jnp.take(weight, indices, axis=0)  # [B, L, D]
    return out

if __name__ == "__main__":
    import jax
    _d = setup_inputs()
    print(jax.jit(kernel)(*tuple(_d.values())))

</pallas_src>

<mosaic_0001>
#map = affine_map<(d0, d1) -> (0, 0)>
module attributes {stable_mosaic.version = 14 : i64} {
  func.func @kern(%arg0: i32, %arg1: i32, %arg2: memref<1000000x64xf32, #tpu.memory_space<hbm>>, %arg3: memref<6400x128xi32, #tpu.memory_space<hbm>>, %arg4: memref<819200x64xf32, #tpu.memory_space<hbm>>, %arg5: memref<!tpu.dma_semaphore, #tpu.memory_space<semaphore_mem>>) attributes {dimension_semantics = [#tpu.dimension_semantics<core_parallel>, #tpu.dimension_semantics<subcore_parallel>], iteration_bounds = array<i64: 2, 16>, scalar_prefetch = 0 : i64, scratch_operands = 1 : i64, tpu.core_type = #tpu.core_type<sc_vector_subcore>, window_params = [{transform_indices = #map}, {transform_indices = #map}, {transform_indices = #map}]} {
    %mul3A = arith.constant 1 : i32
    %mul3A_0 = arith.muli %arg1, %mul3A : i32
    %add3A = arith.constant 0 : i32
    %add3A_1 = arith.addi %add3A, %mul3A_0 : i32
    %mul3A_2 = arith.constant 16 : i32
    %mul3A_3 = arith.muli %arg0, %mul3A_2 : i32
    %add3A_4 = arith.addi %add3A_1, %mul3A_3 : i32
    %mul3A_5 = arith.constant 50 : i32
    %mul3A_6 = arith.muli %add3A_4, %mul3A_5 : i32
    "tpu.region"() ({
      %run_scoped3A = memref.alloca() : memref<2x4x128xi32, #tpu.memory_space<vmem>>
      %run_scoped3A_7 = tpu.sem_alloc : memref<2x!tpu.dma_semaphore, #tpu.memory_space<semaphore_mem>>
      %run_scoped3A_8 = memref.alloca() : memref<2x512x64xf32, #tpu.memory_space<vmem>>
      %run_scoped3A_9 = tpu.sem_alloc : memref<2x!tpu.dma_semaphore, #tpu.memory_space<semaphore_mem>>
      %add3A_10 = arith.constant 0 : i32
      %add3A_11 = arith.addi %add3A_10, %mul3A_6 : i32
      %select_n3A = arith.constant true
      %select_n3A_12 = arith.constant 0 : i32
      %select_n3A_13 = arith.constant -1 : i32
      %select_n3A_14 = arith.select %select_n3A, %select_n3A_13, %select_n3A_12 : i32
      %eq3A = arith.constant -1 : i32
      %eq3A_15 = arith.cmpi eq, %select_n3A_14, %eq3A : i32
      %select_n3A_16 = arith.constant 49 : i32
      %select_n3A_17 = arith.select %eq3A_15, %select_n3A_16, %select_n3A_14 : i32
      %add3A_18 = arith.addi %select_n3A_17, %mul3A_6 : i32
      %select_n3A_19 = arith.constant true
      %select_n3A_20 = arith.constant 0 : i32
      %select_n3A_21 = arith.constant 1 : i32
      %select_n3A_22 = arith.select %select_n3A_19, %select_n3A_21, %select_n3A_20 : i32
      %eq3A_23 = arith.constant 50 : i32
      %eq3A_24 = arith.cmpi eq, %select_n3A_22, %eq3A_23 : i32
      %select_n3A_25 = arith.constant 0 : i32
      %select_n3A_26 = arith.select %eq3A_24, %select_n3A_25, %select_n3A_22 : i32
      %add3A_27 = arith.addi %select_n3A_26, %mul3A_6 : i32
      %add3A_28 = arith.constant 1 : i32
      %add3A_29 = arith.addi %select_n3A_26, %add3A_28 : i32
      %select_n3A_30 = arith.constant true
      %select_n3A_31 = arith.select %select_n3A_30, %add3A_29, %select_n3A_26 : i32
      %eq3A_32 = arith.constant 50 : i32
      %eq3A_33 = arith.cmpi eq, %select_n3A_31, %eq3A_32 : i32
      %select_n3A_34 = arith.constant 0 : i32
      %select_n3A_35 = arith.select %eq3A_33, %select_n3A_34, %select_n3A_31 : i32
      %add3A_36 = arith.addi %select_n3A_35, %mul3A_6 : i32
      "tpu.trace_start"() <{level = 10 : i32, message = "ep_initialize_0"}> : () -> ()
      %rem3A = arith.constant 0 : i32
      %rem3A_37 = arith.constant 2 : i32
      %rem3A_38 = arith.remui %rem3A, %rem3A_37 : i32
      %mul3A_39 = arith.constant 4 : i32
      %mul3A_40 = arith.muli %mul3A_39, %add3A_11 : i32
      %dma_start3A = arith.constant 0 : i32
      %dma_start3A_41 = arith.constant 0 : i32
      %dma_start3A_42 = tpu.memref_slice %run_scoped3A[%rem3A_38, %dma_start3A, %dma_start3A_41] : memref<2x4x128xi32, #tpu.memory_space<vmem>> -> memref<1x4x128xi32, #tpu.memory_space<vmem>>
      %dma_start3A_43 = tpu.memref_squeeze %dma_start3A_42 : memref<1x4x128xi32, #tpu.memory_space<vmem>> -> memref<4x128xi32, #tpu.memory_space<vmem>>
      %dma_start3A_44 = arith.constant 0 : i32
      %dma_start3A_45 = tpu.memref_slice %arg3[%mul3A_40, %dma_start3A_44] : memref<6400x128xi32, #tpu.memory_space<hbm>> -> memref<4x128xi32, #tpu.memory_space<hbm>>
      %dma_start3A_46 = tpu.memref_slice %run_scoped3A_7[%rem3A_38] : memref<2x!tpu.dma_semaphore, #tpu.memory_space<semaphore_mem>> -> memref<1x!tpu.dma_semaphore, #tpu.memory_space<semaphore_mem>>
      %dma_start3A_47 = tpu.memref_squeeze %dma_start3A_46 : memref<1x!tpu.dma_semaphore, #tpu.memory_space<semaphore_mem>> -> memref<!tpu.dma_semaphore, #tpu.memory_space<semaphore_mem>>
      %dma_start3A_48 = arith.constant 0 : i32
      %dma_start3A_49 = arith.constant 0 : i32
      %dma_start3A_50 = tpu.memref_slice %run_scoped3A[%rem3A_38, %dma_start3A_48, %dma_start3A_49] : memref<2x4x128xi32, #tpu.memory_space<vmem>> -> memref<1x4x128xi32, #tpu.memory_space<vmem>>
      %dma_start3A_51 = tpu.memref_squeeze %dma_start3A_50 : memref<1x4x128xi32, #tpu.memory_space<vmem>> -> memref<4x128xi32, #tpu.memory_space<vmem>>
      %dma_start3A_52 = arith.constant 0 : i32
      %dma_start3A_53 = tpu.memref_slice %arg3[%mul3A_40, %dma_start3A_52] : memref<6400x128xi32, #tpu.memory_space<hbm>> -> memref<4x128xi32, #tpu.memory_space<hbm>>
      tpu.enqueue_dma source(%dma_start3A_53 : memref<4x128xi32, #tpu.memory_space<hbm>>) target(%dma_start3A_51 : memref<4x128xi32, #tpu.memory_space<vmem>>) target_semaphore(%dma_start3A_47 : memref<!tpu.dma_semaphore, #tpu.memory_space<semaphore_mem>>)
      %add3A_54 = arith.constant 0 : i32
      %add3A_55 = arith.constant 1 : i32
      %add3A_56 = arith.addi %add3A_54, %add3A_55 : i32
      %select_n3A_57 = arith.constant true
      %select_n3A_58 = arith.constant 0 : i32
      %select_n3A_59 = arith.select %select_n3A_57, %add3A_56, %select_n3A_58 : i32
      "tpu.trace_stop"() : () -> ()
      %scan3A = arith.constant 0 : i32
      %scan3A_60 = arith.constant 0 : i32
      %scan3A_61 = arith.constant 0 : i32
      %scan3A_62 = arith.constant 0 : i32
      %scan3A_63 = arith.constant 0 : i32
      %scan3A_64 = arith.constant 50 : i32
      %scan3A_65 = arith.addi %scan3A_63, %scan3A_64 : i32
      %scan3A_66 = arith.constant 1 : i32
      %scan3A_67:5 = scf.for %scan3A_121 = %scan3A_63 to %scan3A_65 step %scan3A_66 iter_args(%scan3A_122 = %select_n3A_59, %scan3A_123 = %scan3A, %scan3A_124 = %scan3A_60, %scan3A_125 = %scan3A_61, %scan3A_126 = %scan3A_62) -> (i32, i32, i32, i32, i32)  : i32 {
        %eq3A_127 = arith.constant 0 : i32
        %eq3A_128 = arith.cmpi eq, %scan3A_121, %eq3A_127 : i32
        %eq3A_129 = arith.constant 49 : i32
        %eq3A_130 = arith.cmpi eq, %scan3A_121, %eq3A_129 : i32
        %add3A_131 = arith.addi %scan3A_126, %mul3A_6 : i32
        %sub3A_132 = arith.constant 1 : i32
        %sub3A_133 = arith.subi %scan3A_126, %sub3A_132 : i32
        %select_n3A_134 = arith.constant true
        %select_n3A_135 = arith.select %select_n3A_134, %sub3A_133, %scan3A_126 : i32
        %eq3A_136 = arith.constant -1 : i32
        %eq3A_137 = arith.cmpi eq, %select_n3A_135, %eq3A_136 : i32
        %select_n3A_138 = arith.constant 49 : i32
        %select_n3A_139 = arith.select %eq3A_137, %select_n3A_138, %select_n3A_135 : i32
        %add3A_140 = arith.addi %select_n3A_139, %mul3A_6 : i32
        %add3A_141 = arith.constant 1 : i32
        %add3A_142 = arith.addi %scan3A_126, %add3A_141 : i32
        %select_n3A_143 = arith.constant true
        %select_n3A_144 = arith.select %select_n3A_143, %add3A_142, %scan3A_126 : i32
        %eq3A_145 = arith.constant 50 : i32
        %eq3A_146 = arith.cmpi eq, %select_n3A_144, %eq3A_145 : i32
        %select_n3A_147 = arith.constant 0 : i32
        %select_n3A_148 = arith.select %eq3A_146, %select_n3A_147, %select_n3A_144 : i32
        %add3A_149 = arith.addi %select_n3A_148, %mul3A_6 : i32
        %add3A_150 = arith.constant 1 : i32
        %add3A_151 = arith.addi %select_n3A_148, %add3A_150 : i32
        %select_n3A_152 = arith.constant true
        %select_n3A_153 = arith.select %select_n3A_152, %add3A_151, %select_n3A_148 : i32
        %eq3A_154 = arith.constant 50 : i32
        %eq3A_155 = arith.cmpi eq, %select_n3A_153, %eq3A_154 : i32
        %select_n3A_156 = arith.constant 0 : i32
        %select_n3A_157 = arith.select %eq3A_155, %select_n3A_156, %select_n3A_153 : i32
        %add3A_158 = arith.addi %select_n3A_157, %mul3A_6 : i32
        %ne3A = arith.cmpi ne, %add3A_131, %add3A_149 : i32
        %or3A = arith.constant false
        %or3A_159 = arith.ori %or3A, %ne3A : i1
        %or3A_160 = arith.constant false
        %or3A_161 = arith.ori %or3A_159, %or3A_160 : i1
        %ge3A = arith.constant 49 : i32
        %ge3A_162 = arith.cmpi sge, %scan3A_121, %ge3A : i32
        %not3A = arith.constant true
        %not3A_163 = arith.xori %ge3A_162, %not3A : i1
        %and3A = arith.andi %or3A_161, %not3A_163 : i1
        %convert_element_type3A = arith.extui %and3A : i1 to i32
        %cond3A = arith.constant 0 : i32
        %cond3A_164 = arith.cmpi ne, %convert_element_type3A, %cond3A : i32
        scf.if %cond3A_164 {
          "tpu.trace_start"() <{level = 10 : i32, message = "ep_copy_in"}> : () -> ()
          %rem3A_417 = arith.constant 2 : i32
          %rem3A_418 = arith.remui %scan3A_122, %rem3A_417 : i32
          %mul3A_419 = arith.constant 4 : i32
          %mul3A_420 = arith.muli %mul3A_419, %add3A_149 : i32
          %dma_start3A_421 = arith.constant 0 : i32
          %dma_start3A_422 = arith.constant 0 : i32
          %dma_start3A_423 = tpu.memref_slice %run_scoped3A[%rem3A_418, %dma_start3A_421, %dma_start3A_422] : memref<2x4x128xi32, #tpu.memory_space<vmem>> -> memref<1x4x128xi32, #tpu.memory_space<vmem>>
          %dma_start3A_424 = tpu.memref_squeeze %dma_start3A_423 : memref<1x4x128xi32, #tpu.memory_space<vmem>> -> memref<4x128xi32, #tpu.memory_space<vmem>>
          %dma_start3A_425 = arith.constant 0 : i32
          %dma_start3A_426 = tpu.memref_slice %arg3[%mul3A_420, %dma_start3A_425] : memref<6400x128xi32, #tpu.memory_space<hbm>> -> memref<4x128xi32, #tpu.memory_space<hbm>>
          %dma_start3A_427 = tpu.memref_slice %run_scoped3A_7[%rem3A_418] : memref<2x!tpu.dma_semaphore, #tpu.memory_space<semaphore_mem>> -> memref<1x!tpu.dma_semaphore, #tpu.memory_space<semaphore_mem>>
          %dma_start3A_428 = tpu.memref_squeeze %dma_start3A_427 : memref<1x!tpu.dma_semaphore, #tpu.memory_space<semaphore_mem>> -> memref<!tpu.dma_semaphore, #tpu.memory_space<semaphore_mem>>
          %dma_start3A_429 = arith.constant 0 : i32
          %dma_start3A_430 = arith.constant 0 : i32
          %dma_start3A_431 = tpu.memref_slice %run_scoped3A[%rem3A_418, %dma_start3A_429, %dma_start3A_430] : memref<2x4x128xi32, #tpu.memory_space<vmem>> -> memref<1x4x128xi32, #tpu.memory_space<vmem>>
          %dma_start3A_432 = tpu.memref_squeeze %dma_start3A_431 : memref<1x4x128xi32, #tpu.memory_space<vmem>> -> memref<4x128xi32, #tpu.memory_space<vmem>>
          %dma_start3A_433 = arith.constant 0 : i32
          %dma_start3A_434 = tpu.memref_slice %arg3[%mul3A_420, %dma_start3A_433] : memref<6400x128xi32, #tpu.memory_space<hbm>> -> memref<4x128xi32, #tpu.memory_space<hbm>>
          tpu.enqueue_dma source(%dma_start3A_434 : memref<4x128xi32, #tpu.memory_space<hbm>>) target(%dma_start3A_432 : memref<4x128xi32, #tpu.memory_space<vmem>>) target_semaphore(%dma_start3A_428 : memref<!tpu.dma_semaphore, #tpu.memory_space<semaphore_mem>>)
          "tpu.trace_stop"() : () -> ()
        } else {
        }
        %and3A_165 = arith.constant true
        %and3A_166 = arith.andi %and3A, %and3A_165 : i1
        %add3A_167 = arith.constant 1 : i32
        %add3A_168 = arith.addi %scan3A_122, %add3A_167 : i32
        %select_n3A_169 = arith.select %and3A_166, %add3A_168, %scan3A_122 : i32
        %ne3A_170 = arith.cmpi ne, %add3A_131, %add3A_149 : i32
        %or3A_171 = arith.constant false
        %or3A_172 = arith.ori %or3A_171, %ne3A_170 : i1
        %or3A_173 = arith.constant false
        %or3A_174 = arith.ori %or3A_172, %or3A_173 : i1
        %ge3A_175 = arith.constant 49 : i32
        %ge3A_176 = arith.cmpi sge, %scan3A_121, %ge3A_175 : i32
        %not3A_177 = arith.constant true
        %not3A_178 = arith.xori %ge3A_176, %not3A_177 : i1
        %and3A_179 = arith.andi %or3A_174, %not3A_178 : i1
        %ne3A_180 = arith.cmpi ne, %add3A_131, %add3A_140 : i32
        %or3A_181 = arith.constant false
        %or3A_182 = arith.ori %or3A_181, %ne3A_180 : i1
        %or3A_183 = arith.constant false
        %or3A_184 = arith.ori %or3A_182, %or3A_183 : i1
        %or3A_185 = arith.ori %or3A_184, %eq3A_128 : i1
        %convert_element_type3A_186 = arith.extui %or3A_185 : i1 to i32
        %cond3A_187 = arith.constant 0 : i32
        %cond3A_188 = arith.cmpi ne, %convert_element_type3A_186, %cond3A_187 : i32
        scf.if %cond3A_188 {
          "tpu.trace_start"() <{level = 10 : i32, message = "ep_wait_in"}> : () -> ()
          %mul3A_417 = arith.constant 4 : i32
          %mul3A_418 = arith.muli %mul3A_417, %add3A_131 : i32
          %rem3A_419 = arith.constant 2 : i32
          %rem3A_420 = arith.remui %scan3A_123, %rem3A_419 : i32
          %dma_wait3A_421 = arith.constant 0 : i32
          %dma_wait3A_422 = arith.constant 0 : i32
          %dma_wait3A_423 = tpu.memref_slice %run_scoped3A[%rem3A_420, %dma_wait3A_421, %dma_wait3A_422] : memref<2x4x128xi32, #tpu.memory_space<vmem>> -> memref<1x4x128xi32, #tpu.memory_space<vmem>>
          %dma_wait3A_424 = tpu.memref_squeeze %dma_wait3A_423 : memref<1x4x128xi32, #tpu.memory_space<vmem>> -> memref<4x128xi32, #tpu.memory_space<vmem>>
          %dma_wait3A_425 = arith.constant 0 : i32
          %dma_wait3A_426 = tpu.memref_slice %arg3[%mul3A_418, %dma_wait3A_425] : memref<6400x128xi32, #tpu.memory_space<hbm>> -> memref<4x128xi32, #tpu.memory_space<hbm>>
          %dma_wait3A_427 = tpu.memref_slice %run_scoped3A_7[%rem3A_420] : memref<2x!tpu.dma_semaphore, #tpu.memory_space<semaphore_mem>> -> memref<1x!tpu.dma_semaphore, #tpu.memory_space<semaphore_mem>>
          %dma_wait3A_428 = tpu.memref_squeeze %dma_wait3A_427 : memref<1x!tpu.dma_semaphore, #tpu.memory_space<semaphore_mem>> -> memref<!tpu.dma_semaphore, #tpu.memory_space<semaphore_mem>>
          %dma_wait3A_429 = arith.constant 0 : i32
          %dma_wait3A_430 = arith.constant 0 : i32
          %dma_wait3A_431 = tpu.memref_slice %run_scoped3A[%rem3A_420, %dma_wait3A_429, %dma_wait3A_430] : memref<2x4x128xi32, #tpu.memory_space<vmem>> -> memref<1x4x128xi32, #tpu.memory_space<vmem>>
          %dma_wait3A_432 = tpu.memref_squeeze %dma_wait3A_431 : memref<1x4x128xi32, #tpu.memory_space<vmem>> -> memref<4x128xi32, #tpu.memory_space<vmem>>
          %dma_wait3A_433 = arith.constant 0 : i32
          %dma_wait3A_434 = tpu.memref_slice %arg3[%mul3A_418, %dma_wait3A_433] : memref<6400x128xi32, #tpu.memory_space<hbm>> -> memref<4x128xi32, #tpu.memory_space<hbm>>
          tpu.wait_dma2 semaphore(%dma_wait3A_428 : memref<!tpu.dma_semaphore, #tpu.memory_space<semaphore_mem>>) src(%dma_wait3A_434 : memref<4x128xi32, #tpu.memory_space<hbm>>) dst(%dma_wait3A_432 : memref<4x128xi32, #tpu.memory_space<vmem>>)
          "tpu.trace_stop"() : () -> ()
        } else {
        }
        %ne3A_189 = arith.cmpi ne, %add3A_131, %add3A_140 : i32
        %or3A_190 = arith.constant false
        %or3A_191 = arith.ori %or3A_190, %ne3A_189 : i1
        %or3A_192 = arith.constant false
        %or3A_193 = arith.ori %or3A_191, %or3A_192 : i1
        %or3A_194 = arith.ori %or3A_193, %eq3A_128 : i1
        %convert_element_type3A_195 = arith.extui %or3A_194 : i1 to i32
        %cond3A_196 = arith.constant 0 : i32
        %cond3A_197 = arith.cmpi ne, %convert_element_type3A_195, %cond3A_196 : i32
        scf.if %cond3A_197 {
        } else {
        }
        %rem3A_198 = arith.constant 2 : i32
        %rem3A_199 = arith.remui %scan3A_123, %rem3A_198 : i32
        %rem3A_200 = arith.constant 2 : i32
        %rem3A_201 = arith.remui %scan3A_124, %rem3A_200 : i32
        %dma_start3A_202 = arith.constant 0 : i32
        "tpu.trace_start"() <{level = 10 : i32, message = "ep_run_kernel"}> : () -> ()
        %dma_start3A_203 = arith.constant 0 : i32
        %dma_start3A_204 = arith.constant 0 : i32
        %dma_start3A_205 = tpu.memref_slice %run_scoped3A_8[%rem3A_201, %dma_start3A_203, %dma_start3A_204] : memref<2x512x64xf32, #tpu.memory_space<vmem>> -> memref<1x512x64xf32, #tpu.memory_space<vmem>>
        %dma_start3A_206 = tpu.memref_squeeze %dma_start3A_205 : memref<1x512x64xf32, #tpu.memory_space<vmem>> -> memref<512x64xf32, #tpu.memory_space<vmem>>
        %dma_start3A_207 = arith.constant 0 : i32
        %dma_start3A_208 = arith.constant 0 : i32
        %dma_start3A_209 = tpu.memref_slice %dma_start3A_206[%dma_start3A_207, %dma_start3A_208] : memref<512x64xf32, #tpu.memory_space<vmem>> -> memref<128x64xf32, #tpu.memory_space<vmem>>
        %dma_start3A_210 = arith.constant 0 : i32
        %dma_start3A_211 = arith.constant 0 : i32
        %dma_start3A_212 = tpu.memref_slice %run_scoped3A[%rem3A_199, %dma_start3A_210, %dma_start3A_211] : memref<2x4x128xi32, #tpu.memory_space<vmem>> -> memref<1x4x128xi32, #tpu.memory_space<vmem>>
        %dma_start3A_213 = tpu.memref_squeeze %dma_start3A_212 : memref<1x4x128xi32, #tpu.memory_space<vmem>> -> memref<4x128xi32, #tpu.memory_space<vmem>>
        %dma_start3A_214 = arith.constant 0 : i32
        %dma_start3A_215 = tpu.memref_slice %dma_start3A_213[%dma_start3A_202, %dma_start3A_214] : memref<4x128xi32, #tpu.memory_space<vmem>> -> memref<1x128xi32, #tpu.memory_space<vmem>>
        %dma_start3A_216 = tpu.memref_squeeze %dma_start3A_215 : memref<1x128xi32, #tpu.memory_space<vmem>> -> memref<128xi32, #tpu.memory_space<vmem>>
        %dma_start3A_217 = arith.constant 0 : i32
        %dma_start3A_218 = arith.constant 0 : i32
        %dma_start3A_219 = tpu.memref_slice %arg2[%dma_start3A_217, %dma_start3A_218] : memref<1000000x64xf32, #tpu.memory_space<hbm>> -> memref<1000000x64xf32, #tpu.memory_space<hbm>>
        tpu.enqueue_indirect_dma source(%dma_start3A_219 : memref<1000000x64xf32, #tpu.memory_space<hbm>>) target(%dma_start3A_209 : memref<128x64xf32, #tpu.memory_space<vmem>>) offsets(%dma_start3A_216 : memref<128xi32, #tpu.memory_space<vmem>>) semaphore(%arg5 : memref<!tpu.dma_semaphore, #tpu.memory_space<semaphore_mem>>)
        %dma_start3A_220 = arith.constant 1 : i32
        %dma_start3A_221 = arith.constant 0 : i32
        %dma_start3A_222 = arith.constant 0 : i32
        %dma_start3A_223 = tpu.memref_slice %run_scoped3A_8[%rem3A_201, %dma_start3A_221, %dma_start3A_222] : memref<2x512x64xf32, #tpu.memory_space<vmem>> -> memref<1x512x64xf32, #tpu.memory_space<vmem>>
        %dma_start3A_224 = tpu.memref_squeeze %dma_start3A_223 : memref<1x512x64xf32, #tpu.memory_space<vmem>> -> memref<512x64xf32, #tpu.memory_space<vmem>>
        %dma_start3A_225 = arith.constant 128 : i32
        %dma_start3A_226 = arith.constant 0 : i32
        %dma_start3A_227 = tpu.memref_slice %dma_start3A_224[%dma_start3A_225, %dma_start3A_226] : memref<512x64xf32, #tpu.memory_space<vmem>> -> memref<128x64xf32, #tpu.memory_space<vmem>>
        %dma_start3A_228 = arith.constant 0 : i32
        %dma_start3A_229 = arith.constant 0 : i32
        %dma_start3A_230 = tpu.memref_slice %run_scoped3A[%rem3A_199, %dma_start3A_228, %dma_start3A_229] : memref<2x4x128xi32, #tpu.memory_space<vmem>> -> memref<1x4x128xi32, #tpu.memory_space<vmem>>
        %dma_start3A_231 = tpu.memref_squeeze %dma_start3A_230 : memref<1x4x128xi32, #tpu.memory_space<vmem>> -> memref<4x128xi32, #tpu.memory_space<vmem>>
        %dma_start3A_232 = arith.constant 0 : i32
        %dma_start3A_233 = tpu.memref_slice %dma_start3A_231[%dma_start3A_220, %dma_start3A_232] : memref<4x128xi32, #tpu.memory_space<vmem>> -> memref<1x128xi32, #tpu.memory_space<vmem>>
        %dma_start3A_234 = tpu.memref_squeeze %dma_start3A_233 : memref<1x128xi32, #tpu.memory_space<vmem>> -> memref<128xi32, #tpu.memory_space<vmem>>
        %dma_start3A_235 = arith.constant 0 : i32
        %dma_start3A_236 = arith.constant 0 : i32
        %dma_start3A_237 = tpu.memref_slice %arg2[%dma_start3A_235, %dma_start3A_236] : memref<1000000x64xf32, #tpu.memory_space<hbm>> -> memref<1000000x64xf32, #tpu.memory_space<hbm>>
        tpu.enqueue_indirect_dma source(%dma_start3A_237 : memref<1000000x64xf32, #tpu.memory_space<hbm>>) target(%dma_start3A_227 : memref<128x64xf32, #tpu.memory_space<vmem>>) offsets(%dma_start3A_234 : memref<128xi32, #tpu.memory_space<vmem>>) semaphore(%arg5 : memref<!tpu.dma_semaphore, #tpu.memory_space<semaphore_mem>>)
        %dma_start3A_238 = arith.constant 2 : i32
        %dma_start3A_239 = arith.constant 0 : i32
        %dma_start3A_240 = arith.constant 0 : i32
        %dma_start3A_241 = tpu.memref_slice %run_scoped3A_8[%rem3A_201, %dma_start3A_239, %dma_start3A_240] : memref<2x512x64xf32, #tpu.memory_space<vmem>> -> memref<1x512x64xf32, #tpu.memory_space<vmem>>
        %dma_start3A_242 = tpu.memref_squeeze %dma_start3A_241 : memref<1x512x64xf32, #tpu.memory_space<vmem>> -> memref<512x64xf32, #tpu.memory_space<vmem>>
        %dma_start3A_243 = arith.constant 256 : i32
        %dma_start3A_244 = arith.constant 0 : i32
        %dma_start3A_245 = tpu.memref_slice %dma_start3A_242[%dma_start3A_243, %dma_start3A_244] : memref<512x64xf32, #tpu.memory_space<vmem>> -> memref<128x64xf32, #tpu.memory_space<vmem>>
        %dma_start3A_246 = arith.constant 0 : i32
        %dma_start3A_247 = arith.constant 0 : i32
        %dma_start3A_248 = tpu.memref_slice %run_scoped3A[%rem3A_199, %dma_start3A_246, %dma_start3A_247] : memref<2x4x128xi32, #tpu.memory_space<vmem>> -> memref<1x4x128xi32, #tpu.memory_space<vmem>>
        %dma_start3A_249 = tpu.memref_squeeze %dma_start3A_248 : memref<1x4x128xi32, #tpu.memory_space<vmem>> -> memref<4x128xi32, #tpu.memory_space<vmem>>
        %dma_start3A_250 = arith.constant 0 : i32
        %dma_start3A_251 = tpu.memref_slice %dma_start3A_249[%dma_start3A_238, %dma_start3A_250] : memref<4x128xi32, #tpu.memory_space<vmem>> -> memref<1x128xi32, #tpu.memory_space<vmem>>
        %dma_start3A_252 = tpu.memref_squeeze %dma_start3A_251 : memref<1x128xi32, #tpu.memory_space<vmem>> -> memref<128xi32, #tpu.memory_space<vmem>>
        %dma_start3A_253 = arith.constant 0 : i32
        %dma_start3A_254 = arith.constant 0 : i32
        %dma_start3A_255 = tpu.memref_slice %arg2[%dma_start3A_253, %dma_start3A_254] : memref<1000000x64xf32, #tpu.memory_space<hbm>> -> memref<1000000x64xf32, #tpu.memory_space<hbm>>
        tpu.enqueue_indirect_dma source(%dma_start3A_255 : memref<1000000x64xf32, #tpu.memory_space<hbm>>) target(%dma_start3A_245 : memref<128x64xf32, #tpu.memory_space<vmem>>) offsets(%dma_start3A_252 : memref<128xi32, #tpu.memory_space<vmem>>) semaphore(%arg5 : memref<!tpu.dma_semaphore, #tpu.memory_space<semaphore_mem>>)
        %dma_start3A_256 = arith.constant 3 : i32
        %dma_start3A_257 = arith.constant 0 : i32
        %dma_start3A_258 = arith.constant 0 : i32
        %dma_start3A_259 = tpu.memref_slice %run_scoped3A_8[%rem3A_201, %dma_start3A_257, %dma_start3A_258] : memref<2x512x64xf32, #tpu.memory_space<vmem>> -> memref<1x512x64xf32, #tpu.memory_space<vmem>>
        %dma_start3A_260 = tpu.memref_squeeze %dma_start3A_259 : memref<1x512x64xf32, #tpu.memory_space<vmem>> -> memref<512x64xf32, #tpu.memory_space<vmem>>
        %dma_start3A_261 = arith.constant 384 : i32
        %dma_start3A_262 = arith.constant 0 : i32
        %dma_start3A_263 = tpu.memref_slice %dma_start3A_260[%dma_start3A_261, %dma_start3A_262] : memref<512x64xf32, #tpu.memory_space<vmem>> -> memref<128x64xf32, #tpu.memory_space<vmem>>
        %dma_start3A_264 = arith.constant 0 : i32
        %dma_start3A_265 = arith.constant 0 : i32
        %dma_start3A_266 = tpu.memref_slice %run_scoped3A[%rem3A_199, %dma_start3A_264, %dma_start3A_265] : memref<2x4x128xi32, #tpu.memory_space<vmem>> -> memref<1x4x128xi32, #tpu.memory_space<vmem>>
        %dma_start3A_267 = tpu.memref_squeeze %dma_start3A_266 : memref<1x4x128xi32, #tpu.memory_space<vmem>> -> memref<4x128xi32, #tpu.memory_space<vmem>>
        %dma_start3A_268 = arith.constant 0 : i32
        %dma_start3A_269 = tpu.memref_slice %dma_start3A_267[%dma_start3A_256, %dma_start3A_268] : memref<4x128xi32, #tpu.memory_space<vmem>> -> memref<1x128xi32, #tpu.memory_space<vmem>>
        %dma_start3A_270 = tpu.memref_squeeze %dma_start3A_269 : memref<1x128xi32, #tpu.memory_space<vmem>> -> memref<128xi32, #tpu.memory_space<vmem>>
        %dma_start3A_271 = arith.constant 0 : i32
        %dma_start3A_272 = arith.constant 0 : i32
        %dma_start3A_273 = tpu.memref_slice %arg2[%dma_start3A_271, %dma_start3A_272] : memref<1000000x64xf32, #tpu.memory_space<hbm>> -> memref<1000000x64xf32, #tpu.memory_space<hbm>>
        tpu.enqueue_indirect_dma source(%dma_start3A_273 : memref<1000000x64xf32, #tpu.memory_space<hbm>>) target(%dma_start3A_263 : memref<128x64xf32, #tpu.memory_space<vmem>>) offsets(%dma_start3A_270 : memref<128xi32, #tpu.memory_space<vmem>>) semaphore(%arg5 : memref<!tpu.dma_semaphore, #tpu.memory_space<semaphore_mem>>)
        %dma_wait3A_274 = arith.constant 0 : i32
        %dma_wait3A_275 = arith.constant 0 : i32
        %dma_wait3A_276 = arith.constant 0 : i32
        %dma_wait3A_277 = tpu.memref_slice %run_scoped3A_8[%rem3A_201, %dma_wait3A_275, %dma_wait3A_276] : memref<2x512x64xf32, #tpu.memory_space<vmem>> -> memref<1x512x64xf32, #tpu.memory_space<vmem>>
        %dma_wait3A_278 = tpu.memref_squeeze %dma_wait3A_277 : memref<1x512x64xf32, #tpu.memory_space<vmem>> -> memref<512x64xf32, #tpu.memory_space<vmem>>
        %dma_wait3A_279 = arith.constant 0 : i32
        %dma_wait3A_280 = arith.constant 0 : i32
        %dma_wait3A_281 = tpu.memref_slice %dma_wait3A_278[%dma_wait3A_279, %dma_wait3A_280] : memref<512x64xf32, #tpu.memory_space<vmem>> -> memref<128x64xf32, #tpu.memory_space<vmem>>
        %dma_wait3A_282 = arith.constant 0 : i32
        %dma_wait3A_283 = arith.constant 0 : i32
        %dma_wait3A_284 = tpu.memref_slice %run_scoped3A[%rem3A_199, %dma_wait3A_282, %dma_wait3A_283] : memref<2x4x128xi32, #tpu.memory_space<vmem>> -> memref<1x4x128xi32, #tpu.memory_space<vmem>>
        %dma_wait3A_285 = tpu.memref_squeeze %dma_wait3A_284 : memref<1x4x128xi32, #tpu.memory_space<vmem>> -> memref<4x128xi32, #tpu.memory_space<vmem>>
        %dma_wait3A_286 = arith.constant 0 : i32
        %dma_wait3A_287 = tpu.memref_slice %dma_wait3A_285[%dma_wait3A_274, %dma_wait3A_286] : memref<4x128xi32, #tpu.memory_space<vmem>> -> memref<1x128xi32, #tpu.memory_space<vmem>>
        %dma_wait3A_288 = tpu.memref_squeeze %dma_wait3A_287 : memref<1x128xi32, #tpu.memory_space<vmem>> -> memref<128xi32, #tpu.memory_space<vmem>>
        %dma_wait3A_289 = arith.constant 0 : i32
        %dma_wait3A_290 = arith.constant 0 : i32
        %dma_wait3A_291 = tpu.memref_slice %arg2[%dma_wait3A_289, %dma_wait3A_290] : memref<1000000x64xf32, #tpu.memory_space<hbm>> -> memref<1000000x64xf32, #tpu.memory_space<hbm>>
        tpu.wait_indirect_dma semaphore(%arg5 : memref<!tpu.dma_semaphore, #tpu.memory_space<semaphore_mem>>) src(%dma_wait3A_291 : memref<1000000x64xf32, #tpu.memory_space<hbm>>) dst(%dma_wait3A_281 : memref<128x64xf32, #tpu.memory_space<vmem>>)
        %dma_wait3A_292 = arith.constant 1 : i32
        %dma_wait3A_293 = arith.constant 0 : i32
        %dma_wait3A_294 = arith.constant 0 : i32
        %dma_wait3A_295 = tpu.memref_slice %run_scoped3A_8[%rem3A_201, %dma_wait3A_293, %dma_wait3A_294] : memref<2x512x64xf32, #tpu.memory_space<vmem>> -> memref<1x512x64xf32, #tpu.memory_space<vmem>>
        %dma_wait3A_296 = tpu.memref_squeeze %dma_wait3A_295 : memref<1x512x64xf32, #tpu.memory_space<vmem>> -> memref<512x64xf32, #tpu.memory_space<vmem>>
        %dma_wait3A_297 = arith.constant 128 : i32
        %dma_wait3A_298 = arith.constant 0 : i32
        %dma_wait3A_299 = tpu.memref_slice %dma_wait3A_296[%dma_wait3A_297, %dma_wait3A_298] : memref<512x64xf32, #tpu.memory_space<vmem>> -> memref<128x64xf32, #tpu.memory_space<vmem>>
        %dma_wait3A_300 = arith.constant 0 : i32
        %dma_wait3A_301 = arith.constant 0 : i32
        %dma_wait3A_302 = tpu.memref_slice %run_scoped3A[%rem3A_199, %dma_wait3A_300, %dma_wait3A_301] : memref<2x4x128xi32, #tpu.memory_space<vmem>> -> memref<1x4x128xi32, #tpu.memory_space<vmem>>
        %dma_wait3A_303 = tpu.memref_squeeze %dma_wait3A_302 : memref<1x4x128xi32, #tpu.memory_space<vmem>> -> memref<4x128xi32, #tpu.memory_space<vmem>>
        %dma_wait3A_304 = arith.constant 0 : i32
        %dma_wait3A_305 = tpu.memref_slice %dma_wait3A_303[%dma_wait3A_292, %dma_wait3A_304] : memref<4x128xi32, #tpu.memory_space<vmem>> -> memref<1x128xi32, #tpu.memory_space<vmem>>
        %dma_wait3A_306 = tpu.memref_squeeze %dma_wait3A_305 : memref<1x128xi32, #tpu.memory_space<vmem>> -> memref<128xi32, #tpu.memory_space<vmem>>
        %dma_wait3A_307 = arith.constant 0 : i32
        %dma_wait3A_308 = arith.constant 0 : i32
        %dma_wait3A_309 = tpu.memref_slice %arg2[%dma_wait3A_307, %dma_wait3A_308] : memref<1000000x64xf32, #tpu.memory_space<hbm>> -> memref<1000000x64xf32, #tpu.memory_space<hbm>>
        tpu.wait_indirect_dma semaphore(%arg5 : memref<!tpu.dma_semaphore, #tpu.memory_space<semaphore_mem>>) src(%dma_wait3A_309 : memref<1000000x64xf32, #tpu.memory_space<hbm>>) dst(%dma_wait3A_299 : memref<128x64xf32, #tpu.memory_space<vmem>>)
        %dma_wait3A_310 = arith.constant 2 : i32
        %dma_wait3A_311 = arith.constant 0 : i32
        %dma_wait3A_312 = arith.constant 0 : i32
        %dma_wait3A_313 = tpu.memref_slice %run_scoped3A_8[%rem3A_201, %dma_wait3A_311, %dma_wait3A_312] : memref<2x512x64xf32, #tpu.memory_space<vmem>> -> memref<1x512x64xf32, #tpu.memory_space<vmem>>
        %dma_wait3A_314 = tpu.memref_squeeze %dma_wait3A_313 : memref<1x512x64xf32, #tpu.memory_space<vmem>> -> memref<512x64xf32, #tpu.memory_space<vmem>>
        %dma_wait3A_315 = arith.constant 256 : i32
        %dma_wait3A_316 = arith.constant 0 : i32
        %dma_wait3A_317 = tpu.memref_slice %dma_wait3A_314[%dma_wait3A_315, %dma_wait3A_316] : memref<512x64xf32, #tpu.memory_space<vmem>> -> memref<128x64xf32, #tpu.memory_space<vmem>>
        %dma_wait3A_318 = arith.constant 0 : i32
        %dma_wait3A_319 = arith.constant 0 : i32
        %dma_wait3A_320 = tpu.memref_slice %run_scoped3A[%rem3A_199, %dma_wait3A_318, %dma_wait3A_319] : memref<2x4x128xi32, #tpu.memory_space<vmem>> -> memref<1x4x128xi32, #tpu.memory_space<vmem>>
        %dma_wait3A_321 = tpu.memref_squeeze %dma_wait3A_320 : memref<1x4x128xi32, #tpu.memory_space<vmem>> -> memref<4x128xi32, #tpu.memory_space<vmem>>
        %dma_wait3A_322 = arith.constant 0 : i32
        %dma_wait3A_323 = tpu.memref_slice %dma_wait3A_321[%dma_wait3A_310, %dma_wait3A_322] : memref<4x128xi32, #tpu.memory_space<vmem>> -> memref<1x128xi32, #tpu.memory_space<vmem>>
        %dma_wait3A_324 = tpu.memref_squeeze %dma_wait3A_323 : memref<1x128xi32, #tpu.memory_space<vmem>> -> memref<128xi32, #tpu.memory_space<vmem>>
        %dma_wait3A_325 = arith.constant 0 : i32
        %dma_wait3A_326 = arith.constant 0 : i32
        %dma_wait3A_327 = tpu.memref_slice %arg2[%dma_wait3A_325, %dma_wait3A_326] : memref<1000000x64xf32, #tpu.memory_space<hbm>> -> memref<1000000x64xf32, #tpu.memory_space<hbm>>
        tpu.wait_indirect_dma semaphore(%arg5 : memref<!tpu.dma_semaphore, #tpu.memory_space<semaphore_mem>>) src(%dma_wait3A_327 : memref<1000000x64xf32, #tpu.memory_space<hbm>>) dst(%dma_wait3A_317 : memref<128x64xf32, #tpu.memory_space<vmem>>)
        %dma_wait3A_328 = arith.constant 3 : i32
        %dma_wait3A_329 = arith.constant 0 : i32
        %dma_wait3A_330 = arith.constant 0 : i32
        %dma_wait3A_331 = tpu.memref_slice %run_scoped3A_8[%rem3A_201, %dma_wait3A_329, %dma_wait3A_330] : memref<2x512x64xf32, #tpu.memory_space<vmem>> -> memref<1x512x64xf32, #tpu.memory_space<vmem>>
        %dma_wait3A_332 = tpu.memref_squeeze %dma_wait3A_331 : memref<1x512x64xf32, #tpu.memory_space<vmem>> -> memref<512x64xf32, #tpu.memory_space<vmem>>
        %dma_wait3A_333 = arith.constant 384 : i32
        %dma_wait3A_334 = arith.constant 0 : i32
        %dma_wait3A_335 = tpu.memref_slice %dma_wait3A_332[%dma_wait3A_333, %dma_wait3A_334] : memref<512x64xf32, #tpu.memory_space<vmem>> -> memref<128x64xf32, #tpu.memory_space<vmem>>
        %dma_wait3A_336 = arith.constant 0 : i32
        %dma_wait3A_337 = arith.constant 0 : i32
        %dma_wait3A_338 = tpu.memref_slice %run_scoped3A[%rem3A_199, %dma_wait3A_336, %dma_wait3A_337] : memref<2x4x128xi32, #tpu.memory_space<vmem>> -> memref<1x4x128xi32, #tpu.memory_space<vmem>>
        %dma_wait3A_339 = tpu.memref_squeeze %dma_wait3A_338 : memref<1x4x128xi32, #tpu.memory_space<vmem>> -> memref<4x128xi32, #tpu.memory_space<vmem>>
        %dma_wait3A_340 = arith.constant 0 : i32
        %dma_wait3A_341 = tpu.memref_slice %dma_wait3A_339[%dma_wait3A_328, %dma_wait3A_340] : memref<4x128xi32, #tpu.memory_space<vmem>> -> memref<1x128xi32, #tpu.memory_space<vmem>>
        %dma_wait3A_342 = tpu.memref_squeeze %dma_wait3A_341 : memref<1x128xi32, #tpu.memory_space<vmem>> -> memref<128xi32, #tpu.memory_space<vmem>>
        %dma_wait3A_343 = arith.constant 0 : i32
        %dma_wait3A_344 = arith.constant 0 : i32
        %dma_wait3A_345 = tpu.memref_slice %arg2[%dma_wait3A_343, %dma_wait3A_344] : memref<1000000x64xf32, #tpu.memory_space<hbm>> -> memref<1000000x64xf32, #tpu.memory_space<hbm>>
        tpu.wait_indirect_dma semaphore(%arg5 : memref<!tpu.dma_semaphore, #tpu.memory_space<semaphore_mem>>) src(%dma_wait3A_345 : memref<1000000x64xf32, #tpu.memory_space<hbm>>) dst(%dma_wait3A_335 : memref<128x64xf32, #tpu.memory_space<vmem>>)
        "tpu.trace_stop"() : () -> ()
        %ne3A_346 = arith.cmpi ne, %add3A_131, %add3A_149 : i32
        %or3A_347 = arith.constant false
        %or3A_348 = arith.ori %or3A_347, %ne3A_346 : i1
        %or3A_349 = arith.constant false
        %or3A_350 = arith.ori %or3A_348, %or3A_349 : i1
        %or3A_351 = arith.ori %or3A_350, %eq3A_130 : i1
        %convert_element_type3A_352 = arith.extui %or3A_351 : i1 to i32
        %cond3A_353 = arith.constant 0 : i32
        %cond3A_354 = arith.cmpi ne, %convert_element_type3A_352, %cond3A_353 : i32
        scf.if %cond3A_354 {
        } else {
        }
        %and3A_355 = arith.constant false
        %and3A_356 = arith.andi %or3A_351, %and3A_355 : i1
        %ne3A_357 = arith.cmpi ne, %add3A_131, %add3A_149 : i32
        %or3A_358 = arith.constant false
        %or3A_359 = arith.ori %or3A_358, %ne3A_357 : i1
        %or3A_360 = arith.constant false
        %or3A_361 = arith.ori %or3A_359, %or3A_360 : i1
        %or3A_362 = arith.ori %or3A_361, %eq3A_130 : i1
        %convert_element_type3A_363 = arith.extui %or3A_362 : i1 to i32
        %cond3A_364 = arith.constant 0 : i32
        %cond3A_365 = arith.cmpi ne, %convert_element_type3A_363, %cond3A_364 : i32
        scf.if %cond3A_365 {
          "tpu.trace_start"() <{level = 10 : i32, message = "ep_copy_out"}> : () -> ()
          %rem3A_417 = arith.constant 2 : i32
          %rem3A_418 = arith.remui %scan3A_124, %rem3A_417 : i32
          %mul3A_419 = arith.constant 512 : i32
          %mul3A_420 = arith.muli %mul3A_419, %add3A_131 : i32
          %dma_start3A_421 = arith.constant 0 : i32
          %dma_start3A_422 = arith.constant 0 : i32
          %dma_start3A_423 = tpu.memref_slice %run_scoped3A_8[%rem3A_418, %dma_start3A_421, %dma_start3A_422] : memref<2x512x64xf32, #tpu.memory_space<vmem>> -> memref<1x512x64xf32, #tpu.memory_space<vmem>>
          %dma_start3A_424 = tpu.memref_squeeze %dma_start3A_423 : memref<1x512x64xf32, #tpu.memory_space<vmem>> -> memref<512x64xf32, #tpu.memory_space<vmem>>
          %dma_start3A_425 = arith.constant 0 : i32
          %dma_start3A_426 = tpu.memref_slice %arg4[%mul3A_420, %dma_start3A_425] : memref<819200x64xf32, #tpu.memory_space<hbm>> -> memref<512x64xf32, #tpu.memory_space<hbm>>
          %dma_start3A_427 = tpu.memref_slice %run_scoped3A_9[%rem3A_418] : memref<2x!tpu.dma_semaphore, #tpu.memory_space<semaphore_mem>> -> memref<1x!tpu.dma_semaphore, #tpu.memory_space<semaphore_mem>>
          %dma_start3A_428 = tpu.memref_squeeze %dma_start3A_427 : memref<1x!tpu.dma_semaphore, #tpu.memory_space<semaphore_mem>> -> memref<!tpu.dma_semaphore, #tpu.memory_space<semaphore_mem>>
          %dma_start3A_429 = arith.constant 0 : i32
          %dma_start3A_430 = tpu.memref_slice %arg4[%mul3A_420, %dma_start3A_429] : memref<819200x64xf32, #tpu.memory_space<hbm>> -> memref<512x64xf32, #tpu.memory_space<hbm>>
          %dma_start3A_431 = arith.constant 0 : i32
          %dma_start3A_432 = arith.constant 0 : i32
          %dma_start3A_433 = tpu.memref_slice %run_scoped3A_8[%rem3A_418, %dma_start3A_431, %dma_start3A_432] : memref<2x512x64xf32, #tpu.memory_space<vmem>> -> memref<1x512x64xf32, #tpu.memory_space<vmem>>
          %dma_start3A_434 = tpu.memref_squeeze %dma_start3A_433 : memref<1x512x64xf32, #tpu.memory_space<vmem>> -> memref<512x64xf32, #tpu.memory_space<vmem>>
          tpu.enqueue_dma source(%dma_start3A_434 : memref<512x64xf32, #tpu.memory_space<vmem>>) target(%dma_start3A_430 : memref<512x64xf32, #tpu.memory_space<hbm>>) target_semaphore(%dma_start3A_428 : memref<!tpu.dma_semaphore, #tpu.memory_space<semaphore_mem>>)
          "tpu.trace_stop"() : () -> ()
        } else {
        }
        %and3A_366 = arith.constant true
        %and3A_367 = arith.andi %or3A_362, %and3A_366 : i1
        %add3A_368 = arith.constant 1 : i32
        %add3A_369 = arith.addi %scan3A_124, %add3A_368 : i32
        %select_n3A_370 = arith.select %and3A_367, %add3A_369, %scan3A_124 : i32
        %ne3A_371 = arith.cmpi ne, %add3A_131, %add3A_140 : i32
        %or3A_372 = arith.constant false
        %or3A_373 = arith.ori %or3A_372, %ne3A_371 : i1
        %or3A_374 = arith.constant false
        %or3A_375 = arith.ori %or3A_373, %or3A_374 : i1
        %not3A_376 = arith.constant true
        %not3A_377 = arith.xori %eq3A_128, %not3A_376 : i1
        %and3A_378 = arith.andi %or3A_375, %not3A_377 : i1
        %convert_element_type3A_379 = arith.extui %and3A_378 : i1 to i32
        %cond3A_380 = arith.constant 0 : i32
        %cond3A_381 = arith.cmpi ne, %convert_element_type3A_379, %cond3A_380 : i32
        scf.if %cond3A_381 {
        } else {
        }
        %and3A_382 = arith.constant false
        %and3A_383 = arith.andi %and3A_378, %and3A_382 : i1
        %ne3A_384 = arith.cmpi ne, %add3A_131, %add3A_140 : i32
        %or3A_385 = arith.constant false
        %or3A_386 = arith.ori %or3A_385, %ne3A_384 : i1
        %or3A_387 = arith.constant false
        %or3A_388 = arith.ori %or3A_386, %or3A_387 : i1
        %not3A_389 = arith.constant true
        %not3A_390 = arith.xori %eq3A_128, %not3A_389 : i1
        %and3A_391 = arith.andi %or3A_388, %not3A_390 : i1
        %convert_element_type3A_392 = arith.extui %and3A_391 : i1 to i32
        %cond3A_393 = arith.constant 0 : i32
        %cond3A_394 = arith.cmpi ne, %convert_element_type3A_392, %cond3A_393 : i32
        scf.if %cond3A_394 {
          "tpu.trace_start"() <{level = 10 : i32, message = "ep_wait_out"}> : () -> ()
          %rem3A_417 = arith.constant 2 : i32
          %rem3A_418 = arith.remui %scan3A_125, %rem3A_417 : i32
          %mul3A_419 = arith.constant 512 : i32
          %mul3A_420 = arith.muli %mul3A_419, %add3A_140 : i32
          %dma_wait3A_421 = arith.constant 0 : i32
          %dma_wait3A_422 = arith.constant 0 : i32
          %dma_wait3A_423 = tpu.memref_slice %run_scoped3A_8[%rem3A_418, %dma_wait3A_421, %dma_wait3A_422] : memref<2x512x64xf32, #tpu.memory_space<vmem>> -> memref<1x512x64xf32, #tpu.memory_space<vmem>>
          %dma_wait3A_424 = tpu.memref_squeeze %dma_wait3A_423 : memref<1x512x64xf32, #tpu.memory_space<vmem>> -> memref<512x64xf32, #tpu.memory_space<vmem>>
          %dma_wait3A_425 = arith.constant 0 : i32
          %dma_wait3A_426 = tpu.memref_slice %arg4[%mul3A_420, %dma_wait3A_425] : memref<819200x64xf32, #tpu.memory_space<hbm>> -> memref<512x64xf32, #tpu.memory_space<hbm>>
          %dma_wait3A_427 = tpu.memref_slice %run_scoped3A_9[%rem3A_418] : memref<2x!tpu.dma_semaphore, #tpu.memory_space<semaphore_mem>> -> memref<1x!tpu.dma_semaphore, #tpu.memory_space<semaphore_mem>>
          %dma_wait3A_428 = tpu.memref_squeeze %dma_wait3A_427 : memref<1x!tpu.dma_semaphore, #tpu.memory_space<semaphore_mem>> -> memref<!tpu.dma_semaphore, #tpu.memory_space<semaphore_mem>>
          %dma_wait3A_429 = arith.constant 0 : i32
          %dma_wait3A_430 = tpu.memref_slice %arg4[%mul3A_420, %dma_wait3A_429] : memref<819200x64xf32, #tpu.memory_space<hbm>> -> memref<512x64xf32, #tpu.memory_space<hbm>>
          %dma_wait3A_431 = arith.constant 0 : i32
          %dma_wait3A_432 = arith.constant 0 : i32
          %dma_wait3A_433 = tpu.memref_slice %run_scoped3A_8[%rem3A_418, %dma_wait3A_431, %dma_wait3A_432] : memref<2x512x64xf32, #tpu.memory_space<vmem>> -> memref<1x512x64xf32, #tpu.memory_space<vmem>>
          %dma_wait3A_434 = tpu.memref_squeeze %dma_wait3A_433 : memref<1x512x64xf32, #tpu.memory_space<vmem>> -> memref<512x64xf32, #tpu.memory_space<vmem>>
          tpu.wait_dma2 semaphore(%dma_wait3A_428 : memref<!tpu.dma_semaphore, #tpu.memory_space<semaphore_mem>>) src(%dma_wait3A_434 : memref<512x64xf32, #tpu.memory_space<vmem>>) dst(%dma_wait3A_430 : memref<512x64xf32, #tpu.memory_space<hbm>>)
          "tpu.trace_stop"() : () -> ()
        } else {
        }
        %and3A_395 = arith.constant true
        %and3A_396 = arith.andi %and3A_391, %and3A_395 : i1
        %add3A_397 = arith.constant 1 : i32
        %add3A_398 = arith.addi %scan3A_125, %add3A_397 : i32
        %select_n3A_399 = arith.select %and3A_396, %add3A_398, %scan3A_125 : i32
        %ne3A_400 = arith.cmpi ne, %add3A_131, %add3A_149 : i32
        %or3A_401 = arith.constant false
        %or3A_402 = arith.ori %or3A_401, %ne3A_400 : i1
        %or3A_403 = arith.constant false
        %or3A_404 = arith.ori %or3A_402, %or3A_403 : i1
        %or3A_405 = arith.ori %or3A_404, %eq3A_130 : i1
        %add3A_406 = arith.constant 1 : i32
        %add3A_407 = arith.addi %scan3A_123, %add3A_406 : i32
        %select_n3A_408 = arith.select %or3A_405, %add3A_407, %scan3A_123 : i32
        %add3A_409 = arith.constant 1 : i32
        %add3A_410 = arith.addi %scan3A_126, %add3A_409 : i32
        %select_n3A_411 = arith.constant true
        %select_n3A_412 = arith.select %select_n3A_411, %add3A_410, %scan3A_126 : i32
        %eq3A_413 = arith.constant 50 : i32
        %eq3A_414 = arith.cmpi eq, %select_n3A_412, %eq3A_413 : i32
        %select_n3A_415 = arith.constant 0 : i32
        %select_n3A_416 = arith.select %eq3A_414, %select_n3A_415, %select_n3A_412 : i32
        scf.yield %select_n3A_169, %select_n3A_408, %select_n3A_370, %select_n3A_399, %select_n3A_416 : i32, i32, i32, i32, i32
      }
      %scan3A_68 = arith.constant 50 : i32
      %sub3A = arith.constant 1 : i32
      %sub3A_69 = arith.subi %scan3A_67#4, %sub3A : i32
      %select_n3A_70 = arith.constant true
      %select_n3A_71 = arith.select %select_n3A_70, %sub3A_69, %scan3A_67#4 : i32
      %eq3A_72 = arith.constant -1 : i32
      %eq3A_73 = arith.cmpi eq, %select_n3A_71, %eq3A_72 : i32
      %select_n3A_74 = arith.constant 49 : i32
      %select_n3A_75 = arith.select %eq3A_73, %select_n3A_74, %select_n3A_71 : i32
      %add3A_76 = arith.addi %select_n3A_75, %mul3A_6 : i32
      %sub3A_77 = arith.constant 1 : i32
      %sub3A_78 = arith.subi %select_n3A_75, %sub3A_77 : i32
      %select_n3A_79 = arith.constant true
      %select_n3A_80 = arith.select %select_n3A_79, %sub3A_78, %select_n3A_75 : i32
      %eq3A_81 = arith.constant -1 : i32
      %eq3A_82 = arith.cmpi eq, %select_n3A_80, %eq3A_81 : i32
      %select_n3A_83 = arith.constant 49 : i32
      %select_n3A_84 = arith.select %eq3A_82, %select_n3A_83, %select_n3A_80 : i32
      %add3A_85 = arith.addi %select_n3A_84, %mul3A_6 : i32
      %add3A_86 = arith.constant 1 : i32
      %add3A_87 = arith.addi %select_n3A_75, %add3A_86 : i32
      %select_n3A_88 = arith.constant true
      %select_n3A_89 = arith.select %select_n3A_88, %add3A_87, %select_n3A_75 : i32
      %eq3A_90 = arith.constant 50 : i32
      %eq3A_91 = arith.cmpi eq, %select_n3A_89, %eq3A_90 : i32
      %select_n3A_92 = arith.constant 0 : i32
      %select_n3A_93 = arith.select %eq3A_91, %select_n3A_92, %select_n3A_89 : i32
      %add3A_94 = arith.addi %select_n3A_93, %mul3A_6 : i32
      %add3A_95 = arith.constant 1 : i32
      %add3A_96 = arith.addi %select_n3A_93, %add3A_95 : i32
      %select_n3A_97 = arith.constant true
      %select_n3A_98 = arith.select %select_n3A_97, %add3A_96, %select_n3A_93 : i32
      %eq3A_99 = arith.constant 50 : i32
      %eq3A_100 = arith.cmpi eq, %select_n3A_98, %eq3A_99 : i32
      %select_n3A_101 = arith.constant 0 : i32
      %select_n3A_102 = arith.select %eq3A_100, %select_n3A_101, %select_n3A_98 : i32
      %add3A_103 = arith.addi %select_n3A_102, %mul3A_6 : i32
      "tpu.trace_start"() <{level = 10 : i32, message = "ep_finalize"}> : () -> ()
      %rem3A_104 = arith.constant 2 : i32
      %rem3A_105 = arith.remui %scan3A_67#3, %rem3A_104 : i32
      %mul3A_106 = arith.constant 512 : i32
      %mul3A_107 = arith.muli %mul3A_106, %add3A_76 : i32
      %dma_wait3A = arith.constant 0 : i32
      %dma_wait3A_108 = arith.constant 0 : i32
      %dma_wait3A_109 = tpu.memref_slice %run_scoped3A_8[%rem3A_105, %dma_wait3A, %dma_wait3A_108] : memref<2x512x64xf32, #tpu.memory_space<vmem>> -> memref<1x512x64xf32, #tpu.memory_space<vmem>>
      %dma_wait3A_110 = tpu.memref_squeeze %dma_wait3A_109 : memref<1x512x64xf32, #tpu.memory_space<vmem>> -> memref<512x64xf32, #tpu.memory_space<vmem>>
      %dma_wait3A_111 = arith.constant 0 : i32
      %dma_wait3A_112 = tpu.memref_slice %arg4[%mul3A_107, %dma_wait3A_111] : memref<819200x64xf32, #tpu.memory_space<hbm>> -> memref<512x64xf32, #tpu.memory_space<hbm>>
      %dma_wait3A_113 = tpu.memref_slice %run_scoped3A_9[%rem3A_105] : memref<2x!tpu.dma_semaphore, #tpu.memory_space<semaphore_mem>> -> memref<1x!tpu.dma_semaphore, #tpu.memory_space<semaphore_mem>>
      %dma_wait3A_114 = tpu.memref_squeeze %dma_wait3A_113 : memref<1x!tpu.dma_semaphore, #tpu.memory_space<semaphore_mem>> -> memref<!tpu.dma_semaphore, #tpu.memory_space<semaphore_mem>>
      %dma_wait3A_115 = arith.constant 0 : i32
      %dma_wait3A_116 = tpu.memref_slice %arg4[%mul3A_107, %dma_wait3A_115] : memref<819200x64xf32, #tpu.memory_space<hbm>> -> memref<512x64xf32, #tpu.memory_space<hbm>>
      %dma_wait3A_117 = arith.constant 0 : i32
      %dma_wait3A_118 = arith.constant 0 : i32
      %dma_wait3A_119 = tpu.memref_slice %run_scoped3A_8[%rem3A_105, %dma_wait3A_117, %dma_wait3A_118] : memref<2x512x64xf32, #tpu.memory_space<vmem>> -> memref<1x512x64xf32, #tpu.memory_space<vmem>>
      %dma_wait3A_120 = tpu.memref_squeeze %dma_wait3A_119 : memref<1x512x64xf32, #tpu.memory_space<vmem>> -> memref<512x64xf32, #tpu.memory_space<vmem>>
      tpu.wait_dma2 semaphore(%dma_wait3A_114 : memref<!tpu.dma_semaphore, #tpu.memory_space<semaphore_mem>>) src(%dma_wait3A_120 : memref<512x64xf32, #tpu.memory_space<vmem>>) dst(%dma_wait3A_116 : memref<512x64xf32, #tpu.memory_space<hbm>>)
      "tpu.trace_stop"() : () -> ()
      tpu.yield
    }) : () -> ()
    return
  }
}

</mosaic_0001>

<sc_bundles>
// kernel: kernel.3.cloned.1.call-start
scs
__scs_entry_jumppad:
0x0: {  	(pc) =	sbr.rel $0x88, $3  }
0x1: {  	(tag) =	ssettag $0x0;
	lr =	simm.s32 $0x1  }
0x2: {  	[smem:$0x3F9F] =	sst lr;
	_ =	strace $0xD0000000  }
0x3: {  	_ = 	snop  }
0x4: {  	_ = 	snop  }
0x5: {  	_ = 	snop  }
0x6: {  	_ = 	snop  }
0x7: {  	_ = 	snop  }
__scs_overlays_trampoline_lowered:
0x8: {  	[smem:$0x3FAE] =	sst s0  }
0x9: {  	[smem:$0x3FAF] =	sst s1  }
0xa: {  	[smem:$0x3FB0] =	sst s2  }
0xb: {  	[smem:$0x3FB1] =	sst s3  }
0xc: {  	[smem:$0x3FB2] =	sst s4  }
0xd: {  	[smem:$0x3FB3] =	sst s5  }
0xe: {  	[smem:$0x3FB4] =	sst s6  }
0xf: {  	[smem:$0x3FB5] =	sst s7  }
0x10: {  	[smem:$0x3FB6] =	sst s8  }
0x11: {  	[smem:$0x3FB7] =	sst s9;
	s0 =	simm.s32 @!p0 $0x0  }
0x12: {  	s1 =	sld [smem:$0x3F9D];
	s0 =	simm.s32 @p0 $0x1  }
0x13: {  	[smem:$0x3FB8] =	sst s0;
	s0 =	simm.s32 @!p1 $0x0  }
0x14: {  	s2 =	sld [smem:$0x3F9C];
	s0 =	simm.s32 @p1 $0x1  }
0x15: {  	[smem:$0x3FB9] =	sst s0;
	s0 =	simm.s32 @!p2 $0x0  }
0x16: {  	s3 =	sld [smem:$0x3FDB];
	s0 =	simm.s32 @p2 $0x1  }
0x17: {  	s4 =	simm.s32 $0x1BF5;
	[smem:$0x3FBB] =	sst s0  }
0x18: {  	s0 =	sld [smem:$0x3F9E];
	_ =	swait.ge [sflag:s4], $0x0  }
0x19: {  	s7 =	sld [smem:$0x3F9F]  }
0x1a: {  	s8 =	sadd.s32 $0xFFFFE003, lr  }
0x1b: {  	s9 =	sadd.s32 $0xFFFFFEF7, lr;
	s5 =	simm.s32 $0xFFFFFFFF;
	p2 =	slt.u32 s8, $0xFFFFF086  }
0x1c: {  	p1 =	slt.u32 s9, $0xF7A;
	s5 =	simm.s32 @!p2 $0x0  }
0x1d: {  	s5 =	simm.s32 @p1 $0x1;
	p0 =	seq.s32 s7, s2  }
0x1e: {  	s7 =	smul.u32 @!p0 $0xF7A, s2;
	p2 =	seq.s32 @!p0 s5, $0x0  }
0x1f: {  	s9 =	smul.u32 $0xF7A, s1;
	s8 =	simm.s32 @!p0 $0x1BF5;
	p2 =	por !p2, p0  }
0x20: {  	[sflag:s8] =	ssyncset.s32 @!p0 $0xFFFFF086;
	s6 =	sadd.s32 @!p0 s3, s7;
	s7 =	simm.s32 @!p0 $0x108  }
0x21: {  	s3 =	sadd.s32 s3, s9;
	s6 =	sadd.s32 @!p0 $0x88, s6;
	s7 =	simm.s32 @p2 $0x1082  }
0x22: {  	[simem:s7], [sflag:s8] =	dma.local @!p0 [hbm:s6], $0xF7A  }
0x23: {  	s9 =	sor.u32 $0xD0000000, s2;
	s6 =	simm.s32 $0x108;
	_ =	swait.ge @!p0 [sflag:s8], $0x0  }
0x24: {  	s3 =	sadd.s32 $0x88, s3;
	s6 =	simm.s32 @!p1 $0x1082;
	[sflag:s4] =	ssyncset.s32 $0xFFFFF086  }
0x25: {  	[simem:s6], [sflag:s4] =	dma.local [hbm:s3], $0xF7A  }
0x26: {  	[smem:$0x3F9F] =	sst s1;
	(tag) =	ssettag s2;
	_ =	strace s9  }
0x27: {  	s1 =	sld [smem:$0x3FAF]  }
0x28: {  	s2 =	sld [smem:$0x3FB0]  }
0x29: {  	s4 =	sld [smem:$0x3FB2]  }
0x2a: {  	p0 =	seq.s32 s5, $0x0;
	s5 =	sld [smem:$0x3FB3]  }
0x2b: {  	s6 =	sld [smem:$0x3FB4]  }
0x2c: {  	s7 =	sld [smem:$0x3FB5]  }
0x2d: {  	s3 =	simm.s32 $0x108;
	s8 =	sld [smem:$0x3FB6]  }
0x2e: {  	s3 =	simm.s32 @!p0 $0x1082;
	s9 =	sld [smem:$0x3FB7]  }
0x2f: {  	lr =	sadd.s32 s0, s3;
	s0 =	sld [smem:$0x3FAE]  }
0x30: {  	s3 =	sld [smem:$0x3FB1]  }
0x31: {  	[smem:$0x3FBA] =	sst s10  }
0x32: {  	s10 =	sld [smem:$0x3FB8];
	_ =	sdelay $0x3  }
0x33: {  	p0 =	seq.s32 s10, $0x1;
	s10 =	sld [smem:$0x3FBA];
	_ =	sdelay $0x3  }
0x34: {  	[smem:$0x3FBA] =	sst s10  }
0x35: {  	s10 =	sld [smem:$0x3FB9];
	_ =	sdelay $0x3  }
0x36: {  	p1 =	seq.s32 s10, $0x1;
	s10 =	sld [smem:$0x3FBA];
	_ =	sdelay $0x3  }
0x37: {  	[smem:$0x3FBA] =	sst s10  }
0x38: {  	s10 =	sld [smem:$0x3FBB]  }
0x39: {  	_ = 	snop;
	(pc) =	sbr.ind lr, $3  }
0x3a: {  	_ = 	snop  }
0x3b: {  	_ = 	snop  }
0x3c: {  	p2 =	seq.s32 s10, $0x1;
	s10 =	sld [smem:$0x3FBA]  }
0x3d: {  	_ =	shalt  }
0x3e: {  	_ =	shalt  }
0x3f: {  	_ =	shalt  }
0x40: {  	_ =	shalt  }
0x41: {  	_ =	shalt  }
0x42: {  	_ =	shalt  }
0x43: {  	_ =	shalt  }
0x44: {  	_ =	shalt  }
0x45: {  	_ =	shalt  }
0x46: {  	_ =	shalt  }
0x47: {  	_ =	shalt  }
0x48: {  	_ =	shalt  }
0x49: {  	_ =	shalt  }
0x4a: {  	_ =	shalt  }
0x4b: {  	_ =	shalt  }
0x4c: {  	_ =	shalt  }
0x4d: {  	_ =	shalt  }
0x4e: {  	_ =	shalt  }
0x4f: {  	_ =	shalt  }
0x50: {  	_ =	shalt  }
0x51: {  	_ =	shalt  }
0x52: {  	_ =	shalt  }
0x53: {  	_ =	shalt  }
0x54: {  	_ =	shalt  }
0x55: {  	_ =	shalt  }
0x56: {  	_ =	shalt  }
0x57: {  	_ =	shalt  }
0x58: {  	_ =	shalt  }
0x59: {  	_ =	shalt  }
0x5a: {  	_ =	shalt  }
0x5b: {  	_ =	shalt  }
0x5c: {  	_ =	shalt  }
0x5d: {  	_ =	shalt  }
0x5e: {  	_ =	shalt  }
0x5f: {  	_ =	shalt  }
0x60: {  	_ =	shalt  }
0x61: {  	_ =	shalt  }
0x62: {  	_ =	shalt  }
0x63: {  	_ =	shalt  }
0x64: {  	_ =	shalt  }
0x65: {  	_ =	shalt  }
0x66: {  	_ =	shalt  }
0x67: {  	_ =	shalt  }
0x68: {  	_ =	shalt  }
0x69: {  	_ =	shalt  }
0x6a: {  	_ =	shalt  }
0x6b: {  	_ =	shalt  }
0x6c: {  	_ =	shalt  }
0x6d: {  	_ =	shalt  }
0x6e: {  	_ =	shalt  }
0x6f: {  	_ =	shalt  }
0x70: {  	_ =	shalt  }
0x71: {  	_ =	shalt  }
0x72: {  	_ =	shalt  }
0x73: {  	_ =	shalt  }
0x74: {  	_ =	shalt  }
0x75: {  	_ =	shalt  }
0x76: {  	_ =	shalt  }
0x77: {  	_ =	shalt  }
0x78: {  	_ =	shalt  }
0x79: {  	_ =	shalt  }
0x7a: {  	_ =	shalt  }
0x7b: {  	_ =	shalt  }
0x7c: {  	_ =	shalt  }
0x7d: {  	_ =	shalt  }
0x7e: {  	_ =	shalt  }
0x7f: {  	_ =	shalt  }
0x80: {  	_ =	shalt  }
0x81: {  	_ =	shalt  }
0x82: {  	_ =	shalt  }
0x83: {  	_ =	shalt  }
0x84: {  	_ =	shalt  }
0x85: {  	_ =	shalt  }
0x86: {  	_ =	shalt  }
0x87: {  	_ =	shalt  }
.Lfunc_end0:
.L_simem_size_0:
called_computation.1_lowered:
.L_overlay_start_0:
0x88: {  	s2 =	sld [smem:$0x3FD9]  }
0x89: {  	s3 =	sld [smem:$0x3FFE];
	_ =	sdelay $0x1  }
0x8a: {  	s1 =	srdreg.scid  }
0x8b: {  	s0 =	sand.u32 $0x1, s1  }
0x8c: {  	s17 =	sshll.u32 s0, $0xA;
	s2 =	sadd.s32 s3, s2  }
0x8d: {  	s2 =	sadd.s32 s2, s17  }
0x8e: {  	[smem:$0x3FC6] =	sst s2  }
0x8f: {  	_ = 	snop  }
0x90: {  	s2 =	sld [smem:$0x3FD0];
	(tm) =	ssettm $0x1  }
0x91: {  	s18 =	sld [smem:$0x3FFB];
	_ =	sdelay $0x3  }
0x92: {  	_ =	strace s18  }
0x93: {  	s3 =	sld [smem:$0x3FFC];
	_ =	sdelay $0x3  }
0x94: {  	_ =	strace s3  }
0x95: {  	s3 =	sld [smem:$0x3FFD];
	_ =	sdelay $0x3  }
0x96: {  	_ =	strace s3  }
0x97: {  	_ =	strace $0x8FFFFFFF  }
0x98: {  	s19 =	sld [smem:$0x3FDB];
	_ =	sdelay $0x1  }
0x99: {  	s4 =	simm.s32 $_scs_section_size  }
0x9a: {  	s5 =	simm.s32 $_size__tile_overlayer_lowered;
	s6 =	simm.s32 $_tile_overlayer_lowered  }
0x9b: {  	s22 =	simm.s32 $0x1BFF;
	s21 =	sshll.u32 s6, $0x1;
	s3 =	sadd.s32 s4, s19  }
0x9c: {  	s7 =	simm.s32 $0x0;
	s20 =	sshll.u32 s5, $0x1;
	s5 =	sadd.s32 s21, s3  }
0x9d: {  	[timem:s7], [sflag:s22] =	dma.local [hbm:s5], s20  }
0x9e: {  	_ =	swait.ge [sflag:s22], s20  }
0x9f: {  	s4 =	ssub.s32 $0x0, s20;
	[sflag:s22] =	ssyncset.done $0x0  }
0xa0: {  	[sflag:s22] =	ssyncadd.s32 s4;
	_ =	sdelay $0x1  }
0xa1: {  	s23 =	simm.s32 $0x1B8B  }
0xa2: {  	_ =	swait.ge [sflag:s23], $0x1  }
0xa3: {  	[sflag:s23] =	ssyncset.done $0x0  }
0xa4: {  	s25 =	simm.s32 $0x1B8E;
	s24 =	sld [smem:$0x3FFE];
	[sflag:s23] =	ssyncadd.s32 $0xFFFFFFFF  }
0xa5: {  	s26 =	simm.s32 $execute0_lowered;
	[smem:$0x3FD2] =	sst s25  }
0xa6: {  	s5 =	sshll.u32 s26, $0x1;
	_ =	strace $0x80000046;
	[dreg:$0x1] =	wrdreg $0xFFFFFFFF  }
0xa7: {  	s28 =	simm.s32 $_size_execute0_lowered;
	s3 =	sadd.s32 s3, s5;
	[dreg:$0x0] =	wrdreg $0x0  }
0xa8: {  	s5 =	sshll.u32 s28, $0x1;
	[dreg:$0x2] =	wrdreg s3  }
0xa9: {  	[dreg:$0x3] =	wrdreg s5  }
0xaa: {  	[dreg:$0x4] =	wrdreg $0xC0  }
0xab: {  	_ =	task [dreg:s7], $0x5FFFF  }
0xac: {  	[dreg:$0x1] =	wrdreg $0xFFFFFFFF  }
0xad: {  	[dreg:$0x0] =	wrdreg $0x60  }
0xae: {  	[dreg:$0x2] =	wrdreg s24  }
0xaf: {  	[dreg:$0x3] =	wrdreg s2  }
0xb0: {  	[dreg:$0x4] =	wrdreg $0x9  }
0xb1: {  	_ =	task.clear_ibuf [dreg:s7], $0x5FFFF;
	_ =	strace $0x90000046  }
0xb2: {  	s29 =	simm.s32 $0x9;
	_ =	strace $0x8000004F  }
0xb3: {  	_ =	swait.ge [sflag:s29], $0x1  }
0xb4: {  	[sflag:s29] =	ssyncadd.s32 $0xFFFFFFFF  }
0xb5: {  	_ =	strace $0x9000004F  }
0xb6: {  	_ =	sfence  }
0xb7: {  	s30 =	sld [smem:$0x0];
	_ =	sdelay $0x2  }
0xb8: {  	s31 =	sshll.u32 s1, $0xD;
	s1 =	sshrl.u32 s1, $0x2  }
0xb9: {  	s3 =	sand.u32 $0x4000, s31;
	s1 =	sadd.s32 s1, s30  }
0xba: {  	s0 =	sor.u32 s3, s0;
	s1 =	sshll.u32 s1, $0x11  }
0xbb: {  	s0 =	sor.u32 s1, s0  }
0xbc: {  	s0 =	sadd.s32 $0x8F2B, s0  }
0xbd: {  	[sflag:s0] =	ssyncadd.remote.s32 $0x1  }
0xbe: {  	_ =	sfence.sel $0xFFFF  }
0xbf: {  	[dreg:$0x0] =	wrdreg $0xFFFFFFFF;
	(pc) =	sbr.abs _section_cstart, $3  }
0xc0: {  	[dreg:$0x1] =	wrdreg $0xFFFFFFFF  }
0xc1: {  	_ =	task.clear_ibuf [dreg:s7], $0x2FFFF;
	_ =	strace $0x9FFFFFFF  }
0xc2: {  	(tm) =	ssettm $0x7FFFFFFF  }
0xc3: {  	_ =	shalt  }
tec
execute0_lowered:
.L_overlay_start_1:
0x0: {  	(tag) =	ssettag $0x1  }
0x1: {  	s4 =	rddreg [dreg:$0x0]  }
0x2: {  	s0 =	rddreg [dreg:$0x1];
	s1 =	srdreg.scid;
	s2 =	simm.s32 $0x0  }
0x3: {  	s9 =	simm.s32 $0x80;
	s10 =	simm.s32 $0x5;
	[dreg:$0x3] =	wrdreg s0  }
0x4: {  	s11 =	simm.s32 $0x0;
	s0 =	rddreg [dreg:$0x2];
	s3 =	sand.u32 $0x1, s1  }
0x5: {  	[smem:$0x7FF] =	sst s2;
	s1 =	stileid.u32;
	s5 =	sshll.u32 s3, $0x4  }
0x6: {  	_ =	strace $0x80000047;
	s6 =	ssub.s32 $0x2, s3;
	s5 =	sor.u32 s1, s5  }
0x7: {  	s3 =	sadd.s32 $0xF42E00, s4;
	s7 =	sshrl.u32 s6, $0x1;
	s8 =	smul.u32 $0xC80, s5  }
0x8: {  	s4 =	sadd.s32 $0xA00, s4;
	s7 =	ssub.s32 s6, s7;
	s5 =	smul.u32 $0x32, s5  }
0x9: {  	s7 =	smax.u32 s7, $0x1;
	s6 =	sadd.s32 s4, s8;
	s8 =	simm.s32 $0x1  }
.LBB2_1:
0xa: {  	_ =	strace $0x80000048;
	s12 =	simm.s32 $0x1;
	p0 =	por $0x0, $0x0  }
0xb: {  	[tilespmem:s2], [sflag:$0x2] =	stream.linear.gather [hbm4b:s6+s2], $0x200, $0x200038;
	[tilespmem:$0x10400] =	vst v63  }
0xc: {  	s12 =	simm.s32 @p0 $0x0  }
0xd: {  	p5 =	por $0x1, $0x1;
	p3 =	sne.s32 s12, $0x0  }
0xe: {  	p0 =	por !p5, !p3  }
0xf: {  	p0 =	por !p0, !p0  }
0x10: {  	s13 =	sadd.s32 @p0 s5, s12  }
0x11: {  	_ =	strace $0x90000048;
	s14 =	sand.u32 @p0 $0x1, s8;
	s13 =	sshll.u32 @p0 s13, $0x6  }
0x12: {  	s15 =	simm.s32 @p0 $0x0;
	_ =	strace @p0 $0x80000049;
	s13 =	sand.u32 @p0 $0x1FFFFFC0, s13  }
0x13: {  	s16 =	sshll.u32 @p0 s14, $0x9;
	s14 =	sor.u32 @p0 $0x2, s14;
	s13 =	sadd.s32 @p0 s4, s13  }
0x14: {  	[tilespmem:s16], [sflag:s14] =	stream.linear.gather @p0 [hbm4b:s13+s15], $0x200, $0x200038;
	[tilespmem:$0x10400] =	vst v63  }
0x15: {  	s20 =	sand.u32 $0x1, s2;
	_ =	strace @p0 $0x90000049  }
0x16: {  	s22 =	sor.u32 $0x2, s20;
	_ =	strace $0x8000004A  }
0x17: {  	_ =	swait.ge [sflag:s22], $0x200  }
0x18: {  	[sflag:s22] =	ssyncset.done $0x0  }
0x19: {  	s24 =	simm.s32 $0x0;
	[sflag:s22] =	ssyncadd.s32 $0xFFFFFE00  }
0x1a: {  	p1 =	por $0x1, $0x1;
	s23 =	sshll.u32 s20, $0xF;
	_ =	strace $0x9000004A  }
0x1b: {  	s19 =	sor.u32 $0x400, s23;
	s14 =	sand.u32 $0x200, s24;
	_ =	strace $0x8000004B  }
0x1c: {  	[tilespmem:s19], [sflag:$0x1] =	stream.indirect.gather [hbm4b:s3+s9], $0x40, s14, s9, $0x2000b8;
	[tilespmem:$0x10400] =	vst v63  }
0x1d: {  	p4 =	por $0x0, $0x0;
	s25 =	sor.u32 $0x2400, s23;
	s26 =	sor.u32 $0x80, s14  }
0x1e: {  	[tilespmem:s25], [sflag:$0x1] =	stream.indirect.gather [hbm4b:s3+s9], $0x40, s26, s9, $0x2000b8;
	[tilespmem:$0x10400] =	vst v63  }
0x1f: {  	s17 =	simm.s32 $0x1;
	s30 =	sor.u32 $0x4400, s23;
	s31 =	sor.u32 $0x100, s14  }
0x20: {  	[tilespmem:s30], [sflag:$0x1] =	stream.indirect.gather [hbm4b:s3+s9], $0x40, s31, s9, $0x2000b8;
	[tilespmem:$0x10400] =	vst v63  }
0x21: {  	p6 =	por $0x1, $0x1;
	s13 =	sor.u32 $0x6400, s23;
	s14 =	sor.u32 $0x180, s14  }
0x22: {  	[tilespmem:s13], [sflag:$0x1] =	stream.indirect.gather [hbm4b:s3+s9], $0x40, s14, s9, $0x2000b8;
	[tilespmem:$0x10400] =	vst v63  }
0x23: {  	s28 =	simm.s32 $0x1;
	s21 =	simm.s32 $0x0;
	_ =	swait.ge [sflag:s8], $0x2000  }
0x24: {  	p2 =	por p1, p1;
	s18 =	sadd.s32 $0x1, s12;
	[sflag:s8] =	ssyncset.done $0x0  }
0x25: {  	p5 =	por $0x0, $0x0;
	s17 =	simm.s32 @!p0 $0x0;
	[sflag:s8] =	ssyncadd.s32 $0xFFFFE000  }
0x26: {  	s16 =	simm.s32 $0x30;
	s23 =	simm.s32 $0x1;
	_ =	swait.ge [sflag:s8], $0x2000  }
0x27: {  	s23 =	simm.s32 @!p5 $0x0;
	p5 =	seq.s32 s18, $0x32;
	[sflag:s8] =	ssyncset.done $0x0  }
0x28: {  	s15 =	sand.u32 @!p1 $0x1, s2;
	s18 =	simm.s32 @p5 $0x0;
	[sflag:s8] =	ssyncadd.s32 $0xFFFFE000  }
0x29: {  	p1 =	por $0x0, $0x0;
	p0 =	sne.s32 s12, s18;
	_ =	swait.ge [sflag:s8], $0x2000  }
0x2a: {  	p5 =	por p4, p3;
	p6 =	por !p6, !p0;
	[sflag:s8] =	ssyncset.done $0x0  }
0x2b: {  	s28 =	simm.s32 @!p5 $0x0;
	p3 =	por !p6, !p6;
	[sflag:s8] =	ssyncadd.s32 $0xFFFFE000  }
0x2c: {  	s22 =	sadd.s32 $0x1, s17;
	s17 =	simm.s32 $0x0;
	_ =	swait.ge [sflag:s8], $0x2000  }
0x2d: {  	s24 =	sadd.s32 @p3 s5, s18;
	s26 =	sand.u32 @p3 $0x1, s22;
	[sflag:s8] =	ssyncset.done $0x0  }
0x2e: {  	s13 =	simm.s32 $0x31;
	s14 =	sadd.s32 $0x0, s5;
	[sflag:s8] =	ssyncadd.s32 $0xFFFFE000  }
0x2f: {  	s29 =	sshll.u32 @p5 s14, $0xC;
	s14 =	simm.s32 $0x0;
	_ =	strace $0x9000004B  }
.LBB2_2:
0x30: {  	s30 =	sshll.u32 @p3 s24, $0x6;
	_ =	strace @p5 $0x8000004C;
	s20 =	sor.u32 @p5 $0x4, s20  }
0x31: {  	s25 =	smov.u32 s12;
	s29 =	sand.u32 @p5 $0x1FFFF000, s29;
	s17 =	sadd.s32 s28, s17  }
0x32: {  	s21 =	sadd.s32 s28, s21;
	s12 =	sand.u32 @p3 $0x1FFFFFC0, s30;
	s30 =	rddreg [dreg:$0x3]  }
0x33: {  	s31 =	sadd.s32 @p3 s4, s12;
	s12 =	simm.s32 @p5 $0x0;
	s28 =	sadd.s32 @p5 s30, s29  }
0x34: {  	[hbm4b:s28+s12] =	stream.linear.scatter @p5 [tilespmem:s19], [sflag:s20], $0x8000, $0x200038;
	[tilespmem:$0x10400] =	vst v63  }
0x35: {  	_ =	strace @p5 $0x9000004C  }
0x36: {  	s19 =	sor.u32 @!p2 $0x4, s15;
	_ =	strace @!p2 $0x8000004D  }
0x37: {  	_ =	swait.ge @!p2 [sflag:s19], $0x8000  }
0x38: {  	s14 =	sadd.s32 s23, s14;
	[sflag:s19] =	ssyncset.done @!p2 $0x0  }
0x39: {  	s23 =	sand.u32 @!p1 $0x1, s14;
	[sflag:s19] =	ssyncadd.s32 @!p2 $0xFFFF8000  }
0x3a: {  	s15 =	smov.u32 s23;
	s20 =	simm.s32 @p3 $0x0;
	_ =	strace @!p2 $0x9000004D  }
0x3b: {  	s23 =	sshll.u32 @p3 s26, $0x9;
	s26 =	sor.u32 @p3 $0x2, s26;
	_ =	strace @p3 $0x80000049  }
0x3c: {  	[tilespmem:s23], [sflag:s26] =	stream.linear.gather @p3 [hbm4b:s31+s20], $0x200, $0x200038;
	[tilespmem:$0x10400] =	vst v63  }
0x3d: {  	s30 =	sand.u32 $0x1, s21;
	_ =	strace @p3 $0x90000049  }
0x3e: {  	s28 =	sor.u32 $0x2, s30;
	_ =	strace $0x8000004A  }
0x3f: {  	_ =	swait.ge [sflag:s28], $0x200  }
0x40: {  	[sflag:s28] =	ssyncset.done $0x0  }
0x41: {  	s20 =	sand.u32 $0x1, s17;
	[sflag:s28] =	ssyncadd.s32 $0xFFFFFE00  }
0x42: {  	s31 =	sshll.u32 s21, $0x9;
	s30 =	sshll.u32 s20, $0xF;
	_ =	strace $0x9000004A  }
0x43: {  	s26 =	sand.u32 $0x200, s31;
	s19 =	sor.u32 $0x400, s30;
	_ =	strace $0x8000004B  }
0x44: {  	[tilespmem:s19], [sflag:$0x1] =	stream.indirect.gather [hbm4b:s3+s9], $0x40, s26, s9, $0x2000b8;
	[tilespmem:$0x10400] =	vst v63  }
0x45: {  	s24 =	smov.u32 s13;
	s29 =	sor.u32 $0x80, s26;
	s28 =	sor.u32 $0x2400, s30  }
0x46: {  	[tilespmem:s28], [sflag:$0x1] =	stream.indirect.gather [hbm4b:s3+s9], $0x40, s29, s9, $0x2000b8;
	[tilespmem:$0x10400] =	vst v63  }
0x47: {  	s13 =	smov.u32 s16;
	s28 =	sor.u32 $0x4400, s30;
	s29 =	sor.u32 $0x100, s26  }
0x48: {  	[tilespmem:s28], [sflag:$0x1] =	stream.indirect.gather [hbm4b:s3+s9], $0x40, s29, s9, $0x2000b8;
	[tilespmem:$0x10400] =	vst v63  }
0x49: {  	s16 =	sadd.s32 $0xFFFFFFFF, s16;
	s23 =	sor.u32 $0x6400, s30;
	s26 =	sor.u32 $0x180, s26  }
0x4a: {  	[tilespmem:s23], [sflag:$0x1] =	stream.indirect.gather [hbm4b:s3+s9], $0x40, s26, s9, $0x2000b8;
	[tilespmem:$0x10400] =	vst v63  }
0x4b: {  	p4 =	sne.s32 s16, $0x0;
	s25 =	sadd.s32 s5, s25;
	_ =	swait.ge [sflag:s8], $0x2000  }
0x4c: {  	p6 =	sne.s32 s24, $0x32;
	s12 =	smov.u32 s18;
	[sflag:s8] =	ssyncset.done $0x0  }
0x4d: {  	p5 =	seq.s32 s24, $0x1;
	s24 =	simm.s32 $0x1;
	[sflag:s8] =	ssyncadd.s32 $0xFFFFE000  }
0x4e: {  	s18 =	sadd.s32 $0x1, s18;
	s24 =	simm.s32 @!p3 $0x0;
	_ =	swait.ge [sflag:s8], $0x2000  }
0x4f: {  	p5 =	por p5, p0;
	s22 =	sadd.s32 s24, s22;
	[sflag:s8] =	ssyncset.done $0x0  }
0x50: {  	p2 =	por p1, p1;
	p1 =	seq.s32 s13, $0x32;
	[sflag:s8] =	ssyncadd.s32 $0xFFFFE000  }
0x51: {  	s29 =	sshll.u32 @p5 s25, $0xC;
	s23 =	simm.s32 $0x1;
	_ =	swait.ge [sflag:s8], $0x2000  }
0x52: {  	s23 =	simm.s32 @!p6 $0x0;
	p6 =	seq.s32 s18, $0x32;
	[sflag:s8] =	ssyncset.done $0x0  }
.Ltmp0:
0x53: {  	s18 =	simm.s32 @p6 $0x0;
	[sflag:s8] =	ssyncadd.s32 $0xFFFFE000;
	(pc) =	sbr.rel @p4 .LBB2_2-.Ltmp0, $4  }
0x54: {  	p6 =	sne.s32 s13, $0x1;
	p0 =	sne.s32 s12, s18;
	_ =	swait.ge [sflag:s8], $0x2000  }
0x55: {  	s28 =	simm.s32 $0x1;
	p3 =	por !p6, !p0;
	[sflag:s8] =	ssyncset.done $0x0  }
0x56: {  	s28 =	simm.s32 @!p5 $0x0;
	p3 =	por !p3, !p3;
	[sflag:s8] =	ssyncadd.s32 $0xFFFFE000  }
0x57: {  	s26 =	sand.u32 @p3 $0x1, s22;
	s24 =	sadd.s32 @p3 s5, s18;
	_ =	strace $0x9000004B  }
0x58: {  	_ =	strace @p5 $0x8000004C  }
0x59: {  	s18 =	sand.u32 @p5 $0x1FFFF000, s29;
	s16 =	rddreg [dreg:$0x3]  }
0x5a: {  	s20 =	sor.u32 @p5 $0x4, s20;
	s22 =	simm.s32 @p5 $0x0;
	s16 =	sadd.s32 @p5 s16, s18  }
0x5b: {  	[hbm4b:s16+s22] =	stream.linear.scatter @p5 [tilespmem:s19], [sflag:s20], $0x8000, $0x200038;
	[tilespmem:$0x10400] =	vst v63  }
0x5c: {  	_ =	strace @p5 $0x9000004C  }
0x5d: {  	s15 =	sor.u32 @!p2 $0x4, s15;
	_ =	strace @!p2 $0x8000004D  }
0x5e: {  	_ =	swait.ge @!p2 [sflag:s15], $0x8000  }
0x5f: {  	s18 =	simm.s32 @p3 $0x0;
	[sflag:s15] =	ssyncset.done @!p2 $0x0  }
0x60: {  	s16 =	sshll.u32 @p3 s24, $0x6;
	s19 =	sshll.u32 @p3 s26, $0x9;
	[sflag:s15] =	ssyncadd.s32 @!p2 $0xFFFF8000  }
0x61: {  	s24 =	sadd.s32 s28, s21;
	s16 =	sand.u32 @p3 $0x1FFFFFC0, s16;
	_ =	strace @!p2 $0x9000004D  }
0x62: {  	s20 =	sor.u32 @p3 $0x2, s26;
	s16 =	sadd.s32 @p3 s4, s16;
	_ =	strace @p3 $0x80000049  }
0x63: {  	[tilespmem:s19], [sflag:s20] =	stream.linear.gather @p3 [hbm4b:s16+s18], $0x200, $0x200038;
	[tilespmem:$0x10400] =	vst v63  }
0x64: {  	s25 =	sand.u32 $0x1, s24;
	_ =	strace @p3 $0x90000049  }
0x65: {  	s16 =	sor.u32 $0x2, s25;
	_ =	strace $0x8000004A  }
0x66: {  	_ =	swait.ge [sflag:s16], $0x200  }
0x67: {  	s17 =	sadd.s32 s28, s17;
	[sflag:s16] =	ssyncset.done $0x0  }
0x68: {  	s17 =	sand.u32 $0x1, s17;
	[sflag:s16] =	ssyncadd.s32 $0xFFFFFE00  }
0x69: {  	s26 =	sshll.u32 s17, $0xF;
	s15 =	sshll.u32 s24, $0x9;
	_ =	strace $0x9000004A  }
0x6a: {  	s15 =	sand.u32 $0x200, s15;
	s18 =	sor.u32 $0x400, s26;
	_ =	strace $0x8000004B  }
0x6b: {  	[tilespmem:s18], [sflag:$0x1] =	stream.indirect.gather [hbm4b:s3+s9], $0x40, s15, s9, $0x2000b8;
	[tilespmem:$0x10400] =	vst v63  }
0x6c: {  	s28 =	sor.u32 $0x2400, s26;
	s29 =	sor.u32 $0x80, s15  }
0x6d: {  	[tilespmem:s28], [sflag:$0x1] =	stream.indirect.gather [hbm4b:s3+s9], $0x40, s29, s9, $0x2000b8;
	[tilespmem:$0x10400] =	vst v63  }
0x6e: {  	s30 =	sor.u32 $0x4400, s26;
	s31 =	sor.u32 $0x100, s15  }
0x6f: {  	[tilespmem:s30], [sflag:$0x1] =	stream.indirect.gather [hbm4b:s3+s9], $0x40, s31, s9, $0x2000b8;
	[tilespmem:$0x10400] =	vst v63  }
0x70: {  	s16 =	sor.u32 $0x6400, s26;
	s15 =	sor.u32 $0x180, s15  }
0x71: {  	[tilespmem:s16], [sflag:$0x1] =	stream.indirect.gather [hbm4b:s3+s9], $0x40, s15, s9, $0x2000b8;
	[tilespmem:$0x10400] =	vst v63  }
0x72: {  	_ =	swait.ge [sflag:s8], $0x2000  }
0x73: {  	[sflag:s8] =	ssyncset.done $0x0  }
0x74: {  	[sflag:s8] =	ssyncadd.s32 $0xFFFFE000  }
0x75: {  	_ =	swait.ge [sflag:s8], $0x2000  }
0x76: {  	[sflag:s8] =	ssyncset.done $0x0  }
0x77: {  	[sflag:s8] =	ssyncadd.s32 $0xFFFFE000  }
0x78: {  	_ =	swait.ge [sflag:s8], $0x2000  }
0x79: {  	[sflag:s8] =	ssyncset.done $0x0  }
0x7a: {  	[sflag:s8] =	ssyncadd.s32 $0xFFFFE000  }
0x7b: {  	_ =	swait.ge [sflag:s8], $0x2000  }
0x7c: {  	[sflag:s8] =	ssyncset.done $0x0  }
0x7d: {  	p6 =	seq.s32 s13, $0x1;
	[sflag:s8] =	ssyncadd.s32 $0xFFFFE000  }
0x7e: {  	s12 =	sadd.s32 s5, s12;
	p0 =	por p6, p0;
	_ =	strace $0x9000004B  }
0x7f: {  	s12 =	sshll.u32 @p0 s12, $0xC;
	_ =	strace @p0 $0x8000004C  }
0x80: {  	s14 =	sadd.s32 s23, s14;
	s12 =	sand.u32 @p0 $0x1FFFF000, s12;
	s13 =	rddreg [dreg:$0x3]  }
0x81: {  	s15 =	sor.u32 @p0 $0x4, s17;
	s16 =	simm.s32 @p0 $0x0;
	s12 =	sadd.s32 @p0 s13, s12  }
0x82: {  	[hbm4b:s12+s16] =	stream.linear.scatter @p0 [tilespmem:s18], [sflag:s15], $0x8000, $0x200038;
	[tilespmem:$0x10400] =	vst v63  }
0x83: {  	s12 =	sand.u32 @!p1 $0x1, s14;
	p1 =	por p1, p1;
	_ =	strace @p0 $0x9000004C  }
0x84: {  	s12 =	sor.u32 @!p1 $0x4, s12;
	_ =	strace @!p1 $0x8000004D  }
0x85: {  	_ =	swait.ge @!p1 [sflag:s12], $0x8000  }
0x86: {  	[sflag:s12] =	ssyncset.done @!p1 $0x0  }
0x87: {  	s11 =	sadd.s32 $0x1, s11;
	[sflag:s12] =	ssyncadd.s32 @!p1 $0xFFFF8000  }
0x88: {  	p0 =	sne.s32 s11, s7;
	_ =	strace @!p1 $0x9000004D  }
.Ltmp1:
0x89: {  	_ =	strace $0x8000004E;
	(pc) =	sbr.rel @p0 .LBB2_1-.Ltmp1, $4  }
0x8a: {  	_ =	swait.ge [sflag:s10], $0x8000  }
0x8b: {  	[sflag:s10] =	ssyncset.done $0x0  }
0x8c: {  	[sflag:s10] =	ssyncadd.s32 $0xFFFF8000  }
0x8d: {  	_ =	strace $0x9000004E  }
0x8e: {  	_ =	sfence.sel $0x180000  }
0x8f: {  	[bflag:$0x0] =	sbarrier.arrive $0xFFFF  }
0x90: {  	p0 =	sne.s32 s1, $0x0;
	_ =	strace $0x90000047  }
0x91: {  	s0 =	sadd.s32 @!p0 $0x100000, s0;
	[bflag:$0x2] =	sbarrier.arrive $0xFFFF  }
0x92: {  	[sflag:s0] =	ssyncadd.tile.s32 @!p0 $0x1;
	_ =	shalt  }
.Lfunc_end2:
_tile_overlayer_lowered:
.L_overlay_start_2:
0x93: {  	(tag) =	ssettag $0x2  }
0x94: {  	s0 =	rddreg [dreg:$0x0];
	s2 =	stileid.u32  }
0x95: {  	s1 =	rddreg [dreg:$0x1];
	p0 =	sne.s32 s2, $0x0  }
0x96: {  	s3 =	rddreg [dreg:$0x2];
	[bflag:$0x3] =	sbarrier.arrive $0xFFFF;
	s2 =	simm.s32 @!p0 $0x1C02  }
0x97: {  	[timem:s3], [sflag:s2] =	dma.local @!p0 [hbm:s0], s1  }
0x98: {  	s0 =	simm.s32 @!p0 $0x2  }
0x99: {  	_ =	swait.ge @!p0 [sflag:s0], s1  }
0x9a: {  	s1 =	ssub.s32 @!p0 $0x0, s1;
	[sflag:s0] =	ssyncset.done @!p0 $0x0  }
0x9b: {  	[sflag:s0] =	ssyncadd.s32 @!p0 s1  }
0x9c: {  	[bflag:$0x3] =	sbarrier.arrive $0xFFFF  }
0x9d: {  	_ =	shalt  }

// kernel: sparse-core-data-format-call.cloned.1.call-start
scs
called_computation_lowered:
.L_overlay_start_0:
0x0: {  	s2 =	sld [smem:$0x3FD9]  }
0x1: {  	s3 =	sld [smem:$0x3FFE];
	_ =	sdelay $0x1  }
0x2: {  	s1 =	srdreg.scid  }
0x3: {  	s0 =	sand.u32 $0x1, s1  }
0x4: {  	s18 =	sshll.u32 s0, $0xA;
	s2 =	sadd.s32 s3, s2  }
0x5: {  	s2 =	sadd.s32 s2, s18  }
0x6: {  	[smem:$0x3FC6] =	sst s2  }
0x7: {  	_ = 	snop  }
0x8: {  	s2 =	sld [smem:$0x3FD0];
	(tm) =	ssettm $0x1  }
0x9: {  	s19 =	sld [smem:$0x3FFB];
	_ =	sdelay $0x3  }
0xa: {  	_ =	strace s19  }
0xb: {  	s3 =	sld [smem:$0x3FFC];
	_ =	sdelay $0x3  }
0xc: {  	_ =	strace s3  }
0xd: {  	s3 =	sld [smem:$0x3FFD];
	_ =	sdelay $0x3  }
0xe: {  	_ =	strace s3  }
0xf: {  	_ =	strace $0x8FFFFFFF  }
0x10: {  	s20 =	sld [smem:$0x3FDB];
	_ =	sdelay $0x1  }
0x11: {  	s4 =	simm.s32 $_scs_section_size  }
0x12: {  	s5 =	simm.s32 $_size__tile_overlayer_lowered;
	s6 =	simm.s32 $_tile_overlayer_lowered  }
0x13: {  	s23 =	simm.s32 $0x1BFF;
	s22 =	sshll.u32 s6, $0x1;
	s3 =	sadd.s32 s4, s20  }
0x14: {  	s7 =	simm.s32 $0x0;
	s21 =	sshll.u32 s5, $0x1;
	s5 =	sadd.s32 s22, s3  }
0x15: {  	[timem:s7], [sflag:s23] =	dma.local [hbm:s5], s21  }
0x16: {  	_ =	swait.ge [sflag:s23], s21  }
0x17: {  	s4 =	ssub.s32 $0x0, s21;
	[sflag:s23] =	ssyncset.done $0x0  }
0x18: {  	[sflag:s23] =	ssyncadd.s32 s4;
	_ =	sdelay $0x1  }
0x19: {  	s24 =	simm.s32 $0x1B8B  }
0x1a: {  	_ =	swait.ge [sflag:s24], $0x1  }
0x1b: {  	[sflag:s24] =	ssyncset.done $0x0  }
0x1c: {  	s26 =	simm.s32 $0x1B8E;
	s25 =	sld [smem:$0x3FFE];
	[sflag:s24] =	ssyncadd.s32 $0xFFFFFFFF  }
0x1d: {  	s27 =	simm.s32 $execute0_lowered;
	[smem:$0x3FD2] =	sst s26  }
0x1e: {  	s5 =	sshll.u32 s27, $0x1;
	_ =	strace $0x80000050;
	[dreg:$0x1] =	wrdreg $0xFFFFFFFF  }
0x1f: {  	s28 =	simm.s32 $_size_execute0_lowered;
	s3 =	sadd.s32 s3, s5;
	[dreg:$0x0] =	wrdreg $0x0  }
0x20: {  	s5 =	sshll.u32 s28, $0x1;
	[dreg:$0x2] =	wrdreg s3  }
0x21: {  	[dreg:$0x3] =	wrdreg s5  }
0x22: {  	[dreg:$0x4] =	wrdreg $0xC0  }
0x23: {  	_ =	task [dreg:s7], $0x5FFFF  }
0x24: {  	[dreg:$0x1] =	wrdreg $0xFFFFFFFF  }
0x25: {  	[dreg:$0x0] =	wrdreg $0x60  }
0x26: {  	[dreg:$0x2] =	wrdreg s25  }
0x27: {  	[dreg:$0x3] =	wrdreg s2  }
0x28: {  	[dreg:$0x4] =	wrdreg $0x9  }
0x29: {  	_ =	task.clear_ibuf [dreg:s7], $0x5FFFF;
	_ =	strace $0x90000050  }
0x2a: {  	s29 =	simm.s32 $0x9;
	_ =	strace $0x80000052  }
0x2b: {  	_ =	swait.ge [sflag:s29], $0x1  }
0x2c: {  	[sflag:s29] =	ssyncadd.s32 $0xFFFFFFFF  }
0x2d: {  	_ =	strace $0x90000052  }
0x2e: {  	_ =	sfence  }
0x2f: {  	s30 =	sld [smem:$0x0];
	_ =	sdelay $0x2  }
0x30: {  	s31 =	sshll.u32 s1, $0xD;
	s1 =	sshrl.u32 s1, $0x2  }
0x31: {  	s3 =	sand.u32 $0x4000, s31;
	s1 =	sadd.s32 s1, s30  }
0x32: {  	s0 =	sor.u32 s3, s0;
	s1 =	sshll.u32 s1, $0x11  }
0x33: {  	s0 =	sor.u32 s1, s0  }
0x34: {  	s0 =	sadd.s32 $0x8F2B, s0  }
0x35: {  	[sflag:s0] =	ssyncadd.remote.s32 $0x1  }
0x36: {  	_ =	sfence.sel $0xFFFF  }
0x37: {  	[dreg:$0x0] =	wrdreg $0xFFFFFFFF;
	(pc) =	sbr.abs _section_cstart, $3  }
0x38: {  	[dreg:$0x1] =	wrdreg $0xFFFFFFFF  }
0x39: {  	_ =	task.clear_ibuf [dreg:s7], $0x2FFFF;
	_ =	strace $0x9FFFFFFF  }
0x3a: {  	(tm) =	ssettm $0x7FFFFFFF  }
0x3b: {  	_ =	shalt  }
tec
execute0_lowered:
.L_overlay_start_1:
0x0: {  	(tag) =	ssettag $0x1  }
0x1: {  	s0 =	srdreg.scid  }
0x2: {  	s1 =	sshll.u32 s0, $0x4  }
0x3: {  	s0 =	stileid.u32;
	s1 =	sand.u32 $0x10, s1  }
0x4: {  	s1 =	sor.u32 s0, s1  }
0x5: {  	s6 =	rddreg [dreg:$0x0];
	s4 =	simm.s32 $0x1;
	s2 =	sshll.u32 s1, $0x7  }
0x6: {  	s7 =	simm.s32 $0x2;
	s12 =	simm.s32 $0x0;
	s1 =	ssub.s32 $0x4000, s2  }
0x7: {  	s8 =	simm.s32 $0x20000;
	s13 =	simm.s32 $0x0;
	s3 =	sand.u32 $0xF80, s1  }
0x8: {  	s9 =	simm.s32 $0x0;
	s5 =	sshrl.u32 s1, $0xC;
	p0 =	sne.s32 s3, $0x0  }
.Ltmp0:
0x9: {  	s1 =	rddreg [dreg:$0x2];
	s4 =	simm.s32 @!p0 $0x0;
	(pc) =	sbr.rel .LBB1_1-.Ltmp0, $4  }
0xa: {  	s11 =	simm.s32 $0x0;
	s3 =	rddreg [dreg:$0x1];
	s5 =	sadd.s32 s4, s5  }
0xb: {  	_ =	strace $0x80000051;
	s4 =	simm.s32 $0x1;
	s5 =	smul.u32 $0x32, s5  }
0xc: {  	s6 =	sadd.s32 $0xA00, s6;
	s10 =	smov.u32 s2;
	[sflag:s4] =	ssyncpa.u1 $0x0  }
0xd: {  	p0 =	por $0x0, $0x0;
	[sflag:s7] =	ssyncpa.u1 $0x0;
	s7 =	sor.u32 $0x1, s5  }
.LBB1_4:
0xe: {  	s16 =	sshll.u32 s13, $0x3;
	s17 =	sand.u32 $0x78, s13  }
0xf: {  	s30 =	sand.u32 $0x1F800, s13;
	s12 =	sshll.u32 s12, $0x11;
	s16 =	sand.u32 $0x3C00, s16  }
0x10: {  	[tilespmem:s15+$0x810 ss:$0x81] =	vst.msk $0xffff, v2;
	s31 =	sand.u32 $0x7, s13;
	s16 =	sor.u32 s17, s16;
	s17 =	sadd.s32 s3, s30  }
0x11: {  	[tilespmem:s15+$0x1020 ss:$0x81] =	vst.msk $0xffff, v0;
	s13 =	sshll.u32 s31, $0x12;
	s12 =	sadd.s32 s12, s17;
	s16 =	sshrl.u32 s16, $0x3  }
0x12: {  	[tilespmem:s15+$0x0 ss:$0x81] =	vst.msk $0xffff, v1;
	s13 =	sor.u32 $0x400, s13;
	s12 =	sadd.s32 s16, s12  }
0x13: {  	[hbm4b:s12+s13] =	stream.strided.scatter [tilespmem:s14], [sflag:$0x2], $0x2000, s8, s13, $0x20;
	[tilespmem:$0x8080] =	vst v63  }
.LBB1_5:
0x14: {  	s14 =	sadd.s32 $0x1, s9  }
0x15: {  	s12 =	sadd.s32 $0x1000, s10;
	s16 =	smov.u32 s10;
	p2 =	sgt.s32 s14, $0x31  }
0x16: {  	s16 =	smov.u32 @p2 s12  }
0x17: {  	s14 =	simm.s32 @p2 $0x0;
	p2 =	sgt.s32 s16, $0x3FFF  }
0x18: {  	s16 =	smov.u32 @p2 s2;
	p2 =	sne.s32 s11, s7  }
.Ltmp1:
0x19: {  	p1 =	slt.u32 s11, $0x2;
	(pc) =	sbr.rel @!p2 .LBB1_6-.Ltmp1, $4  }
0x1a: {  	s15 =	simm.s32 @!p1 $0x2  }
0x1b: {  	s13 =	smov.u32 s10;
	p0 =	por !p0, !p0;
	_ =	swait.ge @!p1 [sflag:s15], $0x2000  }
0x1c: {  	s12 =	smov.u32 s9;
	[sflag:s15] =	ssyncset.done @!p1 $0x0;
	s9 =	smov.u32 s14  }
0x1d: {  	s11 =	sadd.s32 $0x1, s11;
	[sflag:s15] =	ssyncadd.s32 @!p1 $0xFFFFE000;
	s10 =	smov.u32 s16  }
.LBB1_1:
0x1e: {  	p1 =	sge.u32 s11, s5  }
0x1f: {  	s14 =	sand.u32 @!p1 $0x1FFFFFF, s9  }
0x20: {  	s15 =	smulhi.u32 @!p1 $0x4924925, s14;
	_ =	sdelay $0x1  }
0x21: {  	s15 =	smul.u32 @!p1 $0x38, s15  }
0x22: {  	s16 =	sxor.u32 @!p1 $0xFFFFFFFF, s11;
	s17 =	smul.u32 @!p1 $0x380, s10  }
0x23: {  	s31 =	sadd.s32 $0xFFFFFFFF, s11;
	s16 =	sshll.u32 @!p1 s16, $0xD;
	s14 =	ssub.s32 @!p1 s14, s15  }
0x24: {  	s15 =	sand.u32 @!p1 $0x2000, s16;
	s16 =	sadd.s32 @!p1 s6, s17;
	s14 =	sshll.u32 @!p1 s14, $0x4  }
0x25: {  	s17 =	simm.s32 @!p1 $0x1C00;
	s14 =	sadd.s32 @!p1 s14, s16;
	s16 =	simm.s32 @!p1 $0x40  }
0x26: {  	[tilespmem:s15], [sflag:$0x1] =	stream.strided.gather @!p1 [hbm4b:s14+s16], $0x2000, s17, s16, $0x38;
	[tilespmem:$0x8080] =	vst v63  }
0x27: {  	p1 =	sge.u32 s31, s5  }
.Ltmp2:
0x28: {  	_ = 	snop;
	(pc) =	sbr.rel @p1 .LBB1_5-.Ltmp2, $1  }
0x29: {  	_ =	sdelay $0x3  }
0x2a: {  	s14 =	simm.s32 $0x1  }
0x2b: {  	_ =	swait.ge [sflag:s4], $0x2000;
	s14 =	simm.s32 @!p0 $0x0  }
0x2c: {  	[sflag:s4] =	ssyncset.done $0x0;
	s15 =	sshll.u32 s14, $0xD  }
0x2d: {  	[sflag:s4] =	ssyncadd.s32 $0xFFFFE000;
	s18 =	sor.u32 $0x20, s15  }
0x2e: {  	s14 =	smul.u32 $0x8100, s14;
	v3 =	vld [tilespmem:s18+$0x10]  }
0x2f: {  	s30 =	sand.u32 $0x1, s11;
	v2 =	vld [tilespmem:s18+$0xFFFFFFF0]  }
0x30: {  	s15 =	smul.u32 $0x8100, s30;
	s14 =	sshrl.u32 s14, $0x2;
	v0 =	vld [tilespmem:s18+$0x0]  }
0x31: {  	v1 =	vld [tilespmem:s18+$0xFFFFFFE0];
	s16 =	sor.u32 $0x4000, s14  }
0x32: {  	s31 =	sshrl.u32 s15, $0x2;
	s15 =	sadd.s32 $0x0, s16  }
0x33: {  	s17 =	simm.s32 $0x4;
	s18 =	sadd.s32 $0x40, s18;
	s14 =	sor.u32 $0x4000, s31;
	[tilespmem:s15+$0x1830 ss:$0x81] =	vst.msk $0xffff, v3  }
.LBB1_3:
0x34: {  	v3 =	vld [tilespmem:s18+$0x10];
	p1 =	sne.s32 s17, $0x1FC;
	[tilespmem:s15+$0x810 ss:$0x81] =	vst.msk $0xffff, v2;
	s19 =	smov.u32 s17;
	s17 =	sadd.s32 $0x4, s17  }
.Ltmp3:
0x35: {  	v2 =	vld [tilespmem:s18+$0xFFFFFFF0];
	[tilespmem:s15+$0x1020 ss:$0x81] =	vst.msk $0xffff, v0;
	(pc) =	sbr.rel @p1 .LBB1_3-.Ltmp3, $4  }
0x36: {  	v0 =	vld [tilespmem:s18+$0x0];
	[tilespmem:s15+$0x0 ss:$0x81] =	vst.msk $0xffff, v1  }
0x37: {  	s15 =	sshra.s32 s19, $0x2;
	v1 =	vld [tilespmem:s18+$0xFFFFFFE0]  }
0x38: {  	s15 =	sadd.s32 s15, s16  }
0x39: {  	s18 =	sadd.s32 $0x40, s18;
	[tilespmem:s15+$0x1830 ss:$0x81] =	vst.msk $0xffff, v3  }
.Ltmp4:
0x3a: {  	_ = 	snop;
	(pc) =	sbr.rel .LBB1_4-.Ltmp4, $1  }
0x3b: {  	_ =	sdelay $0x3  }
.LBB1_6:
0x3c: {  	_ =	sfence.sel $0x180000  }
0x3d: {  	s2 =	simm.s32 $0x1;
	[bflag:$0x0] =	sbarrier.arrive $0xFFFF  }
0x3e: {  	s31 =	simm.s32 $0x2;
	[sflag:s2] =	ssyncpa.u1 $0x1  }
0x3f: {  	[sflag:s31] =	ssyncpa.u1 $0x1  }
0x40: {  	p0 =	sne.s32 s0, $0x0;
	_ =	strace $0x90000051  }
0x41: {  	s0 =	sadd.s32 @!p0 $0x100000, s1;
	[bflag:$0x2] =	sbarrier.arrive $0xFFFF  }
0x42: {  	[sflag:s0] =	ssyncadd.tile.s32 @!p0 $0x1;
	_ =	shalt  }
.Lfunc_end1:
_tile_overlayer_lowered:
.L_overlay_start_2:
0x43: {  	(tag) =	ssettag $0x2  }
0x44: {  	s0 =	rddreg [dreg:$0x0];
	s2 =	stileid.u32  }
0x45: {  	s1 =	rddreg [dreg:$0x1];
	p0 =	sne.s32 s2, $0x0  }
0x46: {  	s3 =	rddreg [dreg:$0x2];
	[bflag:$0x3] =	sbarrier.arrive $0xFFFF;
	s2 =	simm.s32 @!p0 $0x1C01  }
0x47: {  	[timem:s3], [sflag:s2] =	dma.local @!p0 [hbm:s0], s1  }
0x48: {  	s0 =	simm.s32 @!p0 $0x1  }
0x49: {  	_ =	swait.ge @!p0 [sflag:s0], s1  }
0x4a: {  	s1 =	ssub.s32 @!p0 $0x0, s1;
	[sflag:s0] =	ssyncset.done @!p0 $0x0  }
0x4b: {  	[sflag:s0] =	ssyncadd.s32 @!p0 s1  }
0x4c: {  	[bflag:$0x3] =	sbarrier.arrive $0xFFFF  }
0x4d: {  	_ =	shalt  }

</sc_bundles>
